<compile_context>
chip_gen: v7x
topology: tpu7x:2x2x1
jax: 0.10.2.dev20260603
libtpu: 0.0.44.dev20260713+nightly
codegen_flags: <defaults>
</compile_context>

<pallas_src>
import jax
import jax.numpy as jnp
from jax import lax
from jax.experimental import pallas as pl
from jax.experimental.pallas import tpu as pltpu
from jax.experimental.pallas import tpu_sc as plsc

N = 10000
E = 320000
D = 128
K = 10
ALPHA = 0.1

NC = 2
NS = 16
LANES = 16

N_PAD = 10240
CHUNK = 128
CPT = 79
E_PAD = NC * NS * CPT * CHUNK
LROWS = N_PAD + 64
ZPT = LROWS // NS
WPT = N_PAD // NS
PAD_DST = 65536
DEG_W = 128

_mesh = plsc.VectorSubcoreMesh(core_axis_name="c", subcore_axis_name="s")


def _zero_vec_buf(buf, nrows, width):
    def body(i, _):
        for j in range(width // LANES):
            buf[i, pl.ds(j * LANES, LANES)] = jnp.zeros((LANES,), jnp.float32)
        return 0
    lax.fori_loop(0, nrows, body, 0)


def _loc_from_dst(dst_v, loc_v):
    def lane_blk(i, _):
        sl = pl.ds(i * LANES, LANES)
        d = dst_v[sl]
        loc_v[sl] = jnp.where(d < N_PAD, d, N_PAD + (d & 63))
        return 0
    lax.fori_loop(0, CHUNK // LANES, lane_blk, 0)


def _zero_shared(zbuf, sh, row0, nrows):
    for m in range(nrows // 64):
        pltpu.sync_copy(zbuf, sh.at[pl.ds(row0 + 64 * m, 64)])
    if nrows % 64:
        pltpu.sync_copy(zbuf.at[pl.ds(0, nrows % 64)],
                        sh.at[pl.ds(row0 + (nrows // 64) * 64, nrows % 64)])


def _prep_body(dst_hbm, deg_hbm,
               dst_v, loc_v, ones_v, zbuf, tmp_v, deg_sh):
    c = lax.axis_index("c")
    s = lax.axis_index("s")

    _zero_vec_buf(zbuf, 64, DEG_W)
    def ones_body(i, _):
        for j in range(DEG_W // LANES):
            ones_v[i, pl.ds(j * LANES, LANES)] = jnp.ones((LANES,), jnp.float32)
        return 0
    lax.fori_loop(0, CHUNK, ones_body, 0)
    _zero_shared(zbuf, deg_sh, s * ZPT, ZPT)
    plsc.subcore_barrier()

    def chunk_body(k, _):
        off = ((c * NS + s) * CPT + k) * CHUNK
        pltpu.sync_copy(dst_hbm.at[pl.ds(off, CHUNK)], dst_v)
        _loc_from_dst(dst_v, loc_v)
        pltpu.sync_copy(ones_v, deg_sh.at[loc_v], add=True)
        return 0
    lax.fori_loop(0, CPT, chunk_body, 0)
    plsc.subcore_barrier()

    r0 = s * WPT
    for m in range(WPT // 64):
        pltpu.sync_copy(deg_sh.at[pl.ds(r0 + 64 * m, 64)], tmp_v)
        pltpu.sync_copy(tmp_v, deg_hbm.at[pl.ds(c * N_PAD + r0 + 64 * m, 64)])


@jax.jit
def _prep(dst_pad):
    return pl.kernel(
        _prep_body,
        out_type=jax.ShapeDtypeStruct((NC * N_PAD, DEG_W), jnp.float32),
        mesh=_mesh,
        scratch_types=[
            pltpu.VMEM((CHUNK,), jnp.int32),
            pltpu.VMEM((CHUNK,), jnp.int32),
            pltpu.VMEM((CHUNK, DEG_W), jnp.float32),
            pltpu.VMEM((64, DEG_W), jnp.float32),
            pltpu.VMEM((64, DEG_W), jnp.float32),
            pltpu.VMEM_SHARED((LROWS, DEG_W), jnp.float32),
        ],
    )(dst_pad)


def _iter_body(y_hbm, src_hbm, dst_hbm, s_hbm,
               isrc, dloc, rows, zbuf, sem, agg_sh):
    c = lax.axis_index("c")
    s = lax.axis_index("s")

    _zero_vec_buf(zbuf, 64, D)
    _zero_shared(zbuf, agg_sh, s * ZPT, ZPT)
    plsc.subcore_barrier()

    def chunk_body(k, _):
        off = ((c * NS + s) * CPT + k) * CHUNK
        pltpu.sync_copy(src_hbm.at[pl.ds(off, CHUNK)], isrc)
        pltpu.sync_copy(dst_hbm.at[pl.ds(off, CHUNK)], dloc)
        _loc_from_dst(dloc, dloc)
        pltpu.async_copy(y_hbm.at[isrc], rows, sem).wait()
        pltpu.sync_copy(rows, agg_sh.at[dloc], add=True)
        return 0
    lax.fori_loop(0, CPT, chunk_body, 0)
    plsc.subcore_barrier()

    r0 = s * WPT
    for m in range(WPT // 64):
        pltpu.sync_copy(agg_sh.at[pl.ds(r0 + 64 * m, 64)], zbuf)
        pltpu.sync_copy(zbuf, s_hbm.at[pl.ds(c * N_PAD + r0 + 64 * m, 64)])


def _appnp_iter(y, src_pad, loc1d):
    return pl.kernel(
        _iter_body,
        out_type=jax.ShapeDtypeStruct((NC * N_PAD, D), jnp.float32),
        mesh=_mesh,
        scratch_types=[
            pltpu.VMEM((CHUNK,), jnp.int32),
            pltpu.VMEM((CHUNK,), jnp.int32),
            pltpu.VMEM((CHUNK, D), jnp.float32),
            pltpu.VMEM((64, D), jnp.float32),
            pltpu.SemaphoreType.DMA,
            pltpu.VMEM_SHARED((LROWS, D), jnp.float32),
        ],
    )(y, src_pad, loc1d)



_BLK = 256
_NB = N_PAD // _BLK


def _dense1_body(x_ref, w_ref, b_ref, deg0_ref, deg1_ref,
                 y0_ref, d2_ref, dsq_ref):
    pid = pl.program_id(0)
    x = x_ref[...]
    h = lax.dot_general(x, w_ref[...], (((1,), (1,)), ((), ())),
                        precision=lax.Precision.HIGHEST,
                        preferred_element_type=jnp.float32)
    h = jnp.maximum(h + b_ref[...], 0.0)
    deg = deg0_ref[:, 0:1] + deg1_ref[:, 0:1] + 1.0
    dinv = lax.rsqrt(deg)
    rid = pid * _BLK + lax.broadcasted_iota(jnp.int32, (_BLK, 1), 0)
    mask = rid < N
    y0_ref[...] = jnp.where(mask, h * dinv, 0.0)
    d2_ref[...] = jnp.where(mask, (1.0 - ALPHA) * dinv * dinv, 0.0)
    dsq_ref[...] = jnp.sqrt(deg)


def _dense1(x_pad, w, b, deg2):
    return pl.pallas_call(
        _dense1_body,
        grid=(_NB,),
        in_specs=[
            pl.BlockSpec((_BLK, D), lambda i: (i, 0)),
            pl.BlockSpec((D, D), lambda i: (0, 0)),
            pl.BlockSpec((1, D), lambda i: (0, 0)),
            pl.BlockSpec((_BLK, DEG_W), lambda i: (i, 0)),
            pl.BlockSpec((_BLK, DEG_W), lambda i: (i + _NB, 0)),
        ],
        out_specs=[
            pl.BlockSpec((_BLK, D), lambda i: (i, 0)),
            pl.BlockSpec((_BLK, 1), lambda i: (i, 0)),
            pl.BlockSpec((_BLK, 1), lambda i: (i, 0)),
        ],
        out_shape=[
            jax.ShapeDtypeStruct((N_PAD, D), jnp.float32),
            jax.ShapeDtypeStruct((N_PAD, 1), jnp.float32),
            jax.ShapeDtypeStruct((N_PAD, 1), jnp.float32),
        ],
    )(x_pad, w, b, deg2, deg2)


def _blend_body(s0_ref, s1_ref, y_ref, y0_ref, d2_ref, o_ref):
    agg = s0_ref[...] + s1_ref[...] + y_ref[...]
    o_ref[...] = d2_ref[...] * agg + ALPHA * y0_ref[...]


def _blend(s_partial, y, y0, d2):
    return pl.pallas_call(
        _blend_body,
        grid=(_NB,),
        in_specs=[
            pl.BlockSpec((_BLK, D), lambda i: (i, 0)),
            pl.BlockSpec((_BLK, D), lambda i: (i + _NB, 0)),
            pl.BlockSpec((_BLK, D), lambda i: (i, 0)),
            pl.BlockSpec((_BLK, D), lambda i: (i, 0)),
            pl.BlockSpec((_BLK, 1), lambda i: (i, 0)),
        ],
        out_specs=pl.BlockSpec((_BLK, D), lambda i: (i, 0)),
        out_shape=jax.ShapeDtypeStruct((N_PAD, D), jnp.float32),
    )(s_partial, s_partial, y, y0, d2)


def _dense2_body(y_ref, dsq_ref, w_ref, b_ref, deg0_ref, deg1_ref, y0_ref):
    pid = pl.program_id(0)
    x = y_ref[...] * dsq_ref[...]
    h = lax.dot_general(x, w_ref[...], (((1,), (1,)), ((), ())),
                        precision=lax.Precision.HIGHEST,
                        preferred_element_type=jnp.float32)
    h = jnp.maximum(h + b_ref[...], 0.0)
    dinv = lax.rsqrt(deg0_ref[:, 0:1] + deg1_ref[:, 0:1] + 1.0)
    rid = pid * _BLK + lax.broadcasted_iota(jnp.int32, (_BLK, 1), 0)
    y0_ref[...] = jnp.where(rid < N, h * dinv, 0.0)


def _dense2(y, dsq, w, b, deg2):
    return pl.pallas_call(
        _dense2_body,
        grid=(_NB,),
        in_specs=[
            pl.BlockSpec((_BLK, D), lambda i: (i, 0)),
            pl.BlockSpec((_BLK, 1), lambda i: (i, 0)),
            pl.BlockSpec((D, D), lambda i: (0, 0)),
            pl.BlockSpec((1, D), lambda i: (0, 0)),
            pl.BlockSpec((_BLK, DEG_W), lambda i: (i, 0)),
            pl.BlockSpec((_BLK, DEG_W), lambda i: (i + _NB, 0)),
        ],
        out_specs=pl.BlockSpec((_BLK, D), lambda i: (i, 0)),
        out_shape=jax.ShapeDtypeStruct((N_PAD, D), jnp.float32),
    )(y, dsq, w, b, deg2, deg2)


def _lsm_body(y_ref, dsq_ref, o_ref):
    logits = y_ref[...] * dsq_ref[...]
    m = jnp.max(logits, axis=1, keepdims=True)
    ex = jnp.exp(logits - m)
    lse = jnp.log(jnp.sum(ex, axis=1, keepdims=True))
    o_ref[...] = logits - m - lse


def _log_softmax(y, dsq):
    return pl.pallas_call(
        _lsm_body,
        grid=(_NB,),
        in_specs=[
            pl.BlockSpec((_BLK, D), lambda i: (i, 0)),
            pl.BlockSpec((_BLK, 1), lambda i: (i, 0)),
        ],
        out_specs=pl.BlockSpec((_BLK, D), lambda i: (i, 0)),
        out_shape=jax.ShapeDtypeStruct((N_PAD, D), jnp.float32),
    )(y, dsq)


def kernel(x, edge_index, W1, b1, W2, b2):
    src = edge_index[0].astype(jnp.int32)
    dst = edge_index[1].astype(jnp.int32)
    src_pad = jnp.pad(src, (0, E_PAD - E))
    dst_pad = jnp.pad(dst, (0, E_PAD - E), constant_values=PAD_DST)
    x_pad = jnp.pad(x, ((0, N_PAD - N), (0, 0)))

    deg2 = _prep(dst_pad)

    b1r = b1.reshape(1, D)
    b2r = b2.reshape(1, D)

    y0, d2, dsq = _dense1(x_pad, W1, b1r, deg2)
    y = y0
    for _ in range(K):
        s_partial = _appnp_iter(y, src_pad, dst_pad)
        y = _blend(s_partial, y, y0, d2)

    y0b = _dense2(y, dsq, W2, b2r, deg2)
    y = y0b
    for _ in range(K):
        s_partial = _appnp_iter(y, src_pad, dst_pad)
        y = _blend(s_partial, y, y0b, d2)

    out = _log_softmax(y, dsq)
    return out[:N]

# --- scband reference (transcript-rebuilt; emitter-appended) ---
"""Pipeline reference for scband-block-appnp-89859305766970 (READ-ONLY COPY).

The authoritative reference and input builder live on the scoring server;
editing this copy changes nothing except your own understanding.
"""

import jax, jax.numpy as jnp
import numpy as np

N = 10000
E = 320000
D = 128
K = 10
ALPHA = 0.1


def setup_inputs(seed: int = 0) -> dict:
    key = jax.random.key(seed)
    k1, k2, k3, k4 = jax.random.split(key, 4)
    x = jax.random.normal(k1, (N, D), dtype=jnp.float32)
    edge_index = jax.random.randint(k2, (2, E), 0, N, dtype=jnp.int32)
    # Linear layer params (torch Linear: y = x @ W.T + b)
    W1 = jax.random.normal(k3, (D, D), dtype=jnp.float32) * 0.05
    b1 = jnp.zeros((D,), dtype=jnp.float32)
    W2 = jax.random.normal(k4, (D, D), dtype=jnp.float32) * 0.05
    b2 = jnp.zeros((D,), dtype=jnp.float32)
    return {"x": x, "edge_index": edge_index, "W1": W1, "b1": b1, "W2": W2, "b2": b2}


def _gcn_norm(edge_index, num_nodes, dtype):
    src, dst = edge_index[0], edge_index[1]
    loop = jnp.arange(num_nodes, dtype=src.dtype)
    src = jnp.concatenate([src, loop])
    dst = jnp.concatenate([dst, loop])
    w = jnp.ones(src.shape[0], dtype=dtype)
    deg = jnp.zeros((num_nodes,), dtype=dtype).at[dst].add(w)
    deg_inv_sqrt = jnp.where(deg > 0, 1.0 / jnp.sqrt(deg), 0.0)
    norm = deg_inv_sqrt[src] * w * deg_inv_sqrt[dst]
    return src, dst, norm


def _appnp(x, src, dst, norm):
    h = x
    for _ in range(K):
        msg = norm[:, None] * x[src]
        agg = jnp.zeros_like(x).at[dst].add(msg)
        x = (1.0 - ALPHA) * agg + ALPHA * h
    return x


def reference(x, edge_index, W1, b1, W2, b2):
    src, dst, norm = _gcn_norm(edge_index, N, x.dtype)
    # layer 1: Linear -> relu -> (dropout p=0 noop) -> APPNP
    x = x @ W1.T + b1
    x = jax.nn.relu(x)
    x = _appnp(x, src, dst, norm)
    # layer 2: Linear -> relu -> APPNP
    x = x @ W2.T + b2
    x = jax.nn.relu(x)
    x = _appnp(x, src, dst, norm)
    return jax.nn.log_softmax(x, axis=1)

if __name__ == "__main__":
    import jax
    _d = setup_inputs()
    print(jax.jit(kernel)(*tuple(_d.values())))

</pallas_src>

<mosaic_0001>
#map = affine_map<(d0, d1) -> (0)>
#map1 = affine_map<(d0, d1) -> (0, 0)>
module attributes {stable_mosaic.version = 14 : i64} {
  func.func @_prep_body(%arg0: i32, %arg1: i32, %arg2: memref<323584xi32, #tpu.memory_space<hbm>>, %arg3: memref<20480x128xf32, #tpu.memory_space<hbm>>, %arg4: memref<128xi32, #tpu.memory_space<vmem>>, %arg5: memref<128xi32, #tpu.memory_space<vmem>>, %arg6: memref<128x128xf32, #tpu.memory_space<vmem>>, %arg7: memref<64x128xf32, #tpu.memory_space<vmem>>, %arg8: memref<64x128xf32, #tpu.memory_space<vmem>>, %arg9: memref<10304x128xf32, #tpu.memory_space<vmem_shared>>) attributes {dimension_semantics = [#tpu.dimension_semantics<core_parallel>, #tpu.dimension_semantics<subcore_parallel>], iteration_bounds = array<i64: 2, 16>, scalar_prefetch = 0 : i64, scratch_operands = 6 : i64, tpu.core_type = #tpu.core_type<sc_vector_subcore>, window_params = [{transform_indices = #map}, {transform_indices = #map1}]} {
    %scan3A = arith.constant 0 : i32
    %scan3A_0 = arith.constant 0 : i32
    %scan3A_1 = arith.constant 64 : i32
    %scan3A_2 = arith.addi %scan3A_0, %scan3A_1 : i32
    %scan3A_3 = arith.constant 1 : i32
    %scan3A_4 = scf.for %scan3A_115 = %scan3A_0 to %scan3A_2 step %scan3A_3 iter_args(%scan3A_116 = %scan3A) -> (i32)  : i32 {
      %broadcast_in_dim3A = arith.constant 0.000000e+00 : f32
      %broadcast_in_dim3A_117 = vector.broadcast %broadcast_in_dim3A : f32 to vector<16xf32>
      %swap3A = arith.index_cast %scan3A_115 : i32 to index
      %swap3A_118 = arith.constant 0 : index
      %swap3A_119 = tpu.vector_load %arg7[%swap3A, %swap3A_118] {strides = array<i32>} : memref<64x128xf32, #tpu.memory_space<vmem>>, vector<1x16xf32>,
      %swap3A_120 = vector.shape_cast %swap3A_119 : vector<1x16xf32> to vector<16xf32>
      %swap3A_121 = vector.shape_cast %broadcast_in_dim3A_117 : vector<16xf32> to vector<1x16xf32>
      tpu.vector_store %arg7[%swap3A, %swap3A_118], %swap3A_121 {strides = array<i32>} : memref<64x128xf32, #tpu.memory_space<vmem>>, vector<1x16xf32>,
      %broadcast_in_dim3A_122 = arith.constant 0.000000e+00 : f32
      %broadcast_in_dim3A_123 = vector.broadcast %broadcast_in_dim3A_122 : f32 to vector<16xf32>
      %swap3A_124 = arith.index_cast %scan3A_115 : i32 to index
      %swap3A_125 = arith.constant 16 : index
      %swap3A_126 = tpu.vector_load %arg7[%swap3A_124, %swap3A_125] {strides = array<i32>} : memref<64x128xf32, #tpu.memory_space<vmem>>, vector<1x16xf32>,
      %swap3A_127 = vector.shape_cast %swap3A_126 : vector<1x16xf32> to vector<16xf32>
      %swap3A_128 = vector.shape_cast %broadcast_in_dim3A_123 : vector<16xf32> to vector<1x16xf32>
      tpu.vector_store %arg7[%swap3A_124, %swap3A_125], %swap3A_128 {strides = array<i32>} : memref<64x128xf32, #tpu.memory_space<vmem>>, vector<1x16xf32>,
      %broadcast_in_dim3A_129 = arith.constant 0.000000e+00 : f32
      %broadcast_in_dim3A_130 = vector.broadcast %broadcast_in_dim3A_129 : f32 to vector<16xf32>
      %swap3A_131 = arith.index_cast %scan3A_115 : i32 to index
      %swap3A_132 = arith.constant 32 : index
      %swap3A_133 = tpu.vector_load %arg7[%swap3A_131, %swap3A_132] {strides = array<i32>} : memref<64x128xf32, #tpu.memory_space<vmem>>, vector<1x16xf32>,
      %swap3A_134 = vector.shape_cast %swap3A_133 : vector<1x16xf32> to vector<16xf32>
      %swap3A_135 = vector.shape_cast %broadcast_in_dim3A_130 : vector<16xf32> to vector<1x16xf32>
      tpu.vector_store %arg7[%swap3A_131, %swap3A_132], %swap3A_135 {strides = array<i32>} : memref<64x128xf32, #tpu.memory_space<vmem>>, vector<1x16xf32>,
      %broadcast_in_dim3A_136 = arith.constant 0.000000e+00 : f32
      %broadcast_in_dim3A_137 = vector.broadcast %broadcast_in_dim3A_136 : f32 to vector<16xf32>
      %swap3A_138 = arith.index_cast %scan3A_115 : i32 to index
      %swap3A_139 = arith.constant 48 : index
      %swap3A_140 = tpu.vector_load %arg7[%swap3A_138, %swap3A_139] {strides = array<i32>} : memref<64x128xf32, #tpu.memory_space<vmem>>, vector<1x16xf32>,
      %swap3A_141 = vector.shape_cast %swap3A_140 : vector<1x16xf32> to vector<16xf32>
      %swap3A_142 = vector.shape_cast %broadcast_in_dim3A_137 : vector<16xf32> to vector<1x16xf32>
      tpu.vector_store %arg7[%swap3A_138, %swap3A_139], %swap3A_142 {strides = array<i32>} : memref<64x128xf32, #tpu.memory_space<vmem>>, vector<1x16xf32>,
      %broadcast_in_dim3A_143 = arith.constant 0.000000e+00 : f32
      %broadcast_in_dim3A_144 = vector.broadcast %broadcast_in_dim3A_143 : f32 to vector<16xf32>
      %swap3A_145 = arith.index_cast %scan3A_115 : i32 to index
      %swap3A_146 = arith.constant 64 : index
      %swap3A_147 = tpu.vector_load %arg7[%swap3A_145, %swap3A_146] {strides = array<i32>} : memref<64x128xf32, #tpu.memory_space<vmem>>, vector<1x16xf32>,
      %swap3A_148 = vector.shape_cast %swap3A_147 : vector<1x16xf32> to vector<16xf32>
      %swap3A_149 = vector.shape_cast %broadcast_in_dim3A_144 : vector<16xf32> to vector<1x16xf32>
      tpu.vector_store %arg7[%swap3A_145, %swap3A_146], %swap3A_149 {strides = array<i32>} : memref<64x128xf32, #tpu.memory_space<vmem>>, vector<1x16xf32>,
      %broadcast_in_dim3A_150 = arith.constant 0.000000e+00 : f32
      %broadcast_in_dim3A_151 = vector.broadcast %broadcast_in_dim3A_150 : f32 to vector<16xf32>
      %swap3A_152 = arith.index_cast %scan3A_115 : i32 to index
      %swap3A_153 = arith.constant 80 : index
      %swap3A_154 = tpu.vector_load %arg7[%swap3A_152, %swap3A_153] {strides = array<i32>} : memref<64x128xf32, #tpu.memory_space<vmem>>, vector<1x16xf32>,
      %swap3A_155 = vector.shape_cast %swap3A_154 : vector<1x16xf32> to vector<16xf32>
      %swap3A_156 = vector.shape_cast %broadcast_in_dim3A_151 : vector<16xf32> to vector<1x16xf32>
      tpu.vector_store %arg7[%swap3A_152, %swap3A_153], %swap3A_156 {strides = array<i32>} : memref<64x128xf32, #tpu.memory_space<vmem>>, vector<1x16xf32>,
      %broadcast_in_dim3A_157 = arith.constant 0.000000e+00 : f32
      %broadcast_in_dim3A_158 = vector.broadcast %broadcast_in_dim3A_157 : f32 to vector<16xf32>
      %swap3A_159 = arith.index_cast %scan3A_115 : i32 to index
      %swap3A_160 = arith.constant 96 : index
      %swap3A_161 = tpu.vector_load %arg7[%swap3A_159, %swap3A_160] {strides = array<i32>} : memref<64x128xf32, #tpu.memory_space<vmem>>, vector<1x16xf32>,
      %swap3A_162 = vector.shape_cast %swap3A_161 : vector<1x16xf32> to vector<16xf32>
      %swap3A_163 = vector.shape_cast %broadcast_in_dim3A_158 : vector<16xf32> to vector<1x16xf32>
      tpu.vector_store %arg7[%swap3A_159, %swap3A_160], %swap3A_163 {strides = array<i32>} : memref<64x128xf32, #tpu.memory_space<vmem>>, vector<1x16xf32>,
      %broadcast_in_dim3A_164 = arith.constant 0.000000e+00 : f32
      %broadcast_in_dim3A_165 = vector.broadcast %broadcast_in_dim3A_164 : f32 to vector<16xf32>
      %swap3A_166 = arith.index_cast %scan3A_115 : i32 to index
      %swap3A_167 = arith.constant 112 : index
      %swap3A_168 = tpu.vector_load %arg7[%swap3A_166, %swap3A_167] {strides = array<i32>} : memref<64x128xf32, #tpu.memory_space<vmem>>, vector<1x16xf32>,
      %swap3A_169 = vector.shape_cast %swap3A_168 : vector<1x16xf32> to vector<16xf32>
      %swap3A_170 = vector.shape_cast %broadcast_in_dim3A_165 : vector<16xf32> to vector<1x16xf32>
      tpu.vector_store %arg7[%swap3A_166, %swap3A_167], %swap3A_170 {strides = array<i32>} : memref<64x128xf32, #tpu.memory_space<vmem>>, vector<1x16xf32>,
      %scan3A_171 = arith.constant 0 : i32
      scf.yield %scan3A_171 : i32
    }
    %scan3A_5 = arith.constant 64 : i32
    %scan3A_6 = arith.constant 0 : i32
    %scan3A_7 = arith.constant 0 : i32
    %scan3A_8 = arith.constant 128 : i32
    %scan3A_9 = arith.addi %scan3A_7, %scan3A_8 : i32
    %scan3A_10 = arith.constant 1 : i32
    %scan3A_11 = scf.for %scan3A_115 = %scan3A_7 to %scan3A_9 step %scan3A_10 iter_args(%scan3A_116 = %scan3A_6) -> (i32)  : i32 {
      %broadcast_in_dim3A = arith.constant 1.000000e+00 : f32
      %broadcast_in_dim3A_117 = vector.broadcast %broadcast_in_dim3A : f32 to vector<16xf32>
      %swap3A = arith.index_cast %scan3A_115 : i32 to index
      %swap3A_118 = arith.constant 0 : index
      %swap3A_119 = tpu.vector_load %arg6[%swap3A, %swap3A_118] {strides = array<i32>} : memref<128x128xf32, #tpu.memory_space<vmem>>, vector<1x16xf32>,
      %swap3A_120 = vector.shape_cast %swap3A_119 : vector<1x16xf32> to vector<16xf32>
      %swap3A_121 = vector.shape_cast %broadcast_in_dim3A_117 : vector<16xf32> to vector<1x16xf32>
      tpu.vector_store %arg6[%swap3A, %swap3A_118], %swap3A_121 {strides = array<i32>} : memref<128x128xf32, #tpu.memory_space<vmem>>, vector<1x16xf32>,
      %broadcast_in_dim3A_122 = arith.constant 1.000000e+00 : f32
      %broadcast_in_dim3A_123 = vector.broadcast %broadcast_in_dim3A_122 : f32 to vector<16xf32>
      %swap3A_124 = arith.index_cast %scan3A_115 : i32 to index
      %swap3A_125 = arith.constant 16 : index
      %swap3A_126 = tpu.vector_load %arg6[%swap3A_124, %swap3A_125] {strides = array<i32>} : memref<128x128xf32, #tpu.memory_space<vmem>>, vector<1x16xf32>,
      %swap3A_127 = vector.shape_cast %swap3A_126 : vector<1x16xf32> to vector<16xf32>
      %swap3A_128 = vector.shape_cast %broadcast_in_dim3A_123 : vector<16xf32> to vector<1x16xf32>
      tpu.vector_store %arg6[%swap3A_124, %swap3A_125], %swap3A_128 {strides = array<i32>} : memref<128x128xf32, #tpu.memory_space<vmem>>, vector<1x16xf32>,
      %broadcast_in_dim3A_129 = arith.constant 1.000000e+00 : f32
      %broadcast_in_dim3A_130 = vector.broadcast %broadcast_in_dim3A_129 : f32 to vector<16xf32>
      %swap3A_131 = arith.index_cast %scan3A_115 : i32 to index
      %swap3A_132 = arith.constant 32 : index
      %swap3A_133 = tpu.vector_load %arg6[%swap3A_131, %swap3A_132] {strides = array<i32>} : memref<128x128xf32, #tpu.memory_space<vmem>>, vector<1x16xf32>,
      %swap3A_134 = vector.shape_cast %swap3A_133 : vector<1x16xf32> to vector<16xf32>
      %swap3A_135 = vector.shape_cast %broadcast_in_dim3A_130 : vector<16xf32> to vector<1x16xf32>
      tpu.vector_store %arg6[%swap3A_131, %swap3A_132], %swap3A_135 {strides = array<i32>} : memref<128x128xf32, #tpu.memory_space<vmem>>, vector<1x16xf32>,
      %broadcast_in_dim3A_136 = arith.constant 1.000000e+00 : f32
      %broadcast_in_dim3A_137 = vector.broadcast %broadcast_in_dim3A_136 : f32 to vector<16xf32>
      %swap3A_138 = arith.index_cast %scan3A_115 : i32 to index
      %swap3A_139 = arith.constant 48 : index
      %swap3A_140 = tpu.vector_load %arg6[%swap3A_138, %swap3A_139] {strides = array<i32>} : memref<128x128xf32, #tpu.memory_space<vmem>>, vector<1x16xf32>,
      %swap3A_141 = vector.shape_cast %swap3A_140 : vector<1x16xf32> to vector<16xf32>
      %swap3A_142 = vector.shape_cast %broadcast_in_dim3A_137 : vector<16xf32> to vector<1x16xf32>
      tpu.vector_store %arg6[%swap3A_138, %swap3A_139], %swap3A_142 {strides = array<i32>} : memref<128x128xf32, #tpu.memory_space<vmem>>, vector<1x16xf32>,
      %broadcast_in_dim3A_143 = arith.constant 1.000000e+00 : f32
      %broadcast_in_dim3A_144 = vector.broadcast %broadcast_in_dim3A_143 : f32 to vector<16xf32>
      %swap3A_145 = arith.index_cast %scan3A_115 : i32 to index
      %swap3A_146 = arith.constant 64 : index
      %swap3A_147 = tpu.vector_load %arg6[%swap3A_145, %swap3A_146] {strides = array<i32>} : memref<128x128xf32, #tpu.memory_space<vmem>>, vector<1x16xf32>,
      %swap3A_148 = vector.shape_cast %swap3A_147 : vector<1x16xf32> to vector<16xf32>
      %swap3A_149 = vector.shape_cast %broadcast_in_dim3A_144 : vector<16xf32> to vector<1x16xf32>
      tpu.vector_store %arg6[%swap3A_145, %swap3A_146], %swap3A_149 {strides = array<i32>} : memref<128x128xf32, #tpu.memory_space<vmem>>, vector<1x16xf32>,
      %broadcast_in_dim3A_150 = arith.constant 1.000000e+00 : f32
      %broadcast_in_dim3A_151 = vector.broadcast %broadcast_in_dim3A_150 : f32 to vector<16xf32>
      %swap3A_152 = arith.index_cast %scan3A_115 : i32 to index
      %swap3A_153 = arith.constant 80 : index
      %swap3A_154 = tpu.vector_load %arg6[%swap3A_152, %swap3A_153] {strides = array<i32>} : memref<128x128xf32, #tpu.memory_space<vmem>>, vector<1x16xf32>,
      %swap3A_155 = vector.shape_cast %swap3A_154 : vector<1x16xf32> to vector<16xf32>
      %swap3A_156 = vector.shape_cast %broadcast_in_dim3A_151 : vector<16xf32> to vector<1x16xf32>
      tpu.vector_store %arg6[%swap3A_152, %swap3A_153], %swap3A_156 {strides = array<i32>} : memref<128x128xf32, #tpu.memory_space<vmem>>, vector<1x16xf32>,
      %broadcast_in_dim3A_157 = arith.constant 1.000000e+00 : f32
      %broadcast_in_dim3A_158 = vector.broadcast %broadcast_in_dim3A_157 : f32 to vector<16xf32>
      %swap3A_159 = arith.index_cast %scan3A_115 : i32 to index
      %swap3A_160 = arith.constant 96 : index
      %swap3A_161 = tpu.vector_load %arg6[%swap3A_159, %swap3A_160] {strides = array<i32>} : memref<128x128xf32, #tpu.memory_space<vmem>>, vector<1x16xf32>,
      %swap3A_162 = vector.shape_cast %swap3A_161 : vector<1x16xf32> to vector<16xf32>
      %swap3A_163 = vector.shape_cast %broadcast_in_dim3A_158 : vector<16xf32> to vector<1x16xf32>
      tpu.vector_store %arg6[%swap3A_159, %swap3A_160], %swap3A_163 {strides = array<i32>} : memref<128x128xf32, #tpu.memory_space<vmem>>, vector<1x16xf32>,
      %broadcast_in_dim3A_164 = arith.constant 1.000000e+00 : f32
      %broadcast_in_dim3A_165 = vector.broadcast %broadcast_in_dim3A_164 : f32 to vector<16xf32>
      %swap3A_166 = arith.index_cast %scan3A_115 : i32 to index
      %swap3A_167 = arith.constant 112 : index
      %swap3A_168 = tpu.vector_load %arg6[%swap3A_166, %swap3A_167] {strides = array<i32>} : memref<128x128xf32, #tpu.memory_space<vmem>>, vector<1x16xf32>,
      %swap3A_169 = vector.shape_cast %swap3A_168 : vector<1x16xf32> to vector<16xf32>
      %swap3A_170 = vector.shape_cast %broadcast_in_dim3A_165 : vector<16xf32> to vector<1x16xf32>
      tpu.vector_store %arg6[%swap3A_166, %swap3A_167], %swap3A_170 {strides = array<i32>} : memref<128x128xf32, #tpu.memory_space<vmem>>, vector<1x16xf32>,
      %scan3A_171 = arith.constant 0 : i32
      scf.yield %scan3A_171 : i32
    }
    %scan3A_12 = arith.constant 128 : i32
    %mul3A = arith.constant 644 : i32
    %mul3A_13 = arith.muli %arg1, %mul3A : i32
    %add3A = arith.constant 0 : i32
    %add3A_14 = arith.addi %mul3A_13, %add3A : i32
    "tpu.region"() ({
      %run_scoped3A = tpu.sem_alloc : memref<!tpu.dma_semaphore, #tpu.memory_space<semaphore_mem>>
      %dma_start3A = arith.constant 0 : i32
      %dma_start3A_115 = tpu.memref_slice %arg9[%add3A_14, %dma_start3A] : memref<10304x128xf32, #tpu.memory_space<vmem_shared>> -> memref<64x128xf32, #tpu.memory_space<vmem_shared>>
      %dma_start3A_116 = arith.constant 0 : i32
      %dma_start3A_117 = tpu.memref_slice %arg9[%add3A_14, %dma_start3A_116] : memref<10304x128xf32, #tpu.memory_space<vmem_shared>> -> memref<64x128xf32, #tpu.memory_space<vmem_shared>>
      tpu.enqueue_dma source(%arg7 : memref<64x128xf32, #tpu.memory_space<vmem>>) target(%dma_start3A_117 : memref<64x128xf32, #tpu.memory_space<vmem_shared>>) target_semaphore(%run_scoped3A : memref<!tpu.dma_semaphore, #tpu.memory_space<semaphore_mem>>)
      %dma_wait3A = arith.constant 0 : i32
      %dma_wait3A_118 = tpu.memref_slice %arg9[%add3A_14, %dma_wait3A] : memref<10304x128xf32, #tpu.memory_space<vmem_shared>> -> memref<64x128xf32, #tpu.memory_space<vmem_shared>>
      %dma_wait3A_119 = arith.constant 0 : i32
      %dma_wait3A_120 = tpu.memref_slice %arg9[%add3A_14, %dma_wait3A_119] : memref<10304x128xf32, #tpu.memory_space<vmem_shared>> -> memref<64x128xf32, #tpu.memory_space<vmem_shared>>
      tpu.wait_dma2 semaphore(%run_scoped3A : memref<!tpu.dma_semaphore, #tpu.memory_space<semaphore_mem>>) src(%arg7 : memref<64x128xf32, #tpu.memory_space<vmem>>) dst(%dma_wait3A_120 : memref<64x128xf32, #tpu.memory_space<vmem_shared>>)
      tpu.yield
    }) : () -> ()
    %add3A_15 = arith.constant 64 : i32
    %add3A_16 = arith.addi %mul3A_13, %add3A_15 : i32
    "tpu.region"() ({
      %run_scoped3A = tpu.sem_alloc : memref<!tpu.dma_semaphore, #tpu.memory_space<semaphore_mem>>
      %dma_start3A = arith.constant 0 : i32
      %dma_start3A_115 = tpu.memref_slice %arg9[%add3A_16, %dma_start3A] : memref<10304x128xf32, #tpu.memory_space<vmem_shared>> -> memref<64x128xf32, #tpu.memory_space<vmem_shared>>
      %dma_start3A_116 = arith.constant 0 : i32
      %dma_start3A_117 = tpu.memref_slice %arg9[%add3A_16, %dma_start3A_116] : memref<10304x128xf32, #tpu.memory_space<vmem_shared>> -> memref<64x128xf32, #tpu.memory_space<vmem_shared>>
      tpu.enqueue_dma source(%arg7 : memref<64x128xf32, #tpu.memory_space<vmem>>) target(%dma_start3A_117 : memref<64x128xf32, #tpu.memory_space<vmem_shared>>) target_semaphore(%run_scoped3A : memref<!tpu.dma_semaphore, #tpu.memory_space<semaphore_mem>>)
      %dma_wait3A = arith.constant 0 : i32
      %dma_wait3A_118 = tpu.memref_slice %arg9[%add3A_16, %dma_wait3A] : memref<10304x128xf32, #tpu.memory_space<vmem_shared>> -> memref<64x128xf32, #tpu.memory_space<vmem_shared>>
      %dma_wait3A_119 = arith.constant 0 : i32
      %dma_wait3A_120 = tpu.memref_slice %arg9[%add3A_16, %dma_wait3A_119] : memref<10304x128xf32, #tpu.memory_space<vmem_shared>> -> memref<64x128xf32, #tpu.memory_space<vmem_shared>>
      tpu.wait_dma2 semaphore(%run_scoped3A : memref<!tpu.dma_semaphore, #tpu.memory_space<semaphore_mem>>) src(%arg7 : memref<64x128xf32, #tpu.memory_space<vmem>>) dst(%dma_wait3A_120 : memref<64x128xf32, #tpu.memory_space<vmem_shared>>)
      tpu.yield
    }) : () -> ()
    %add3A_17 = arith.constant 128 : i32
    %add3A_18 = arith.addi %mul3A_13, %add3A_17 : i32
    "tpu.region"() ({
      %run_scoped3A = tpu.sem_alloc : memref<!tpu.dma_semaphore, #tpu.memory_space<semaphore_mem>>
      %dma_start3A = arith.constant 0 : i32
      %dma_start3A_115 = tpu.memref_slice %arg9[%add3A_18, %dma_start3A] : memref<10304x128xf32, #tpu.memory_space<vmem_shared>> -> memref<64x128xf32, #tpu.memory_space<vmem_shared>>
      %dma_start3A_116 = arith.constant 0 : i32
      %dma_start3A_117 = tpu.memref_slice %arg9[%add3A_18, %dma_start3A_116] : memref<10304x128xf32, #tpu.memory_space<vmem_shared>> -> memref<64x128xf32, #tpu.memory_space<vmem_shared>>
      tpu.enqueue_dma source(%arg7 : memref<64x128xf32, #tpu.memory_space<vmem>>) target(%dma_start3A_117 : memref<64x128xf32, #tpu.memory_space<vmem_shared>>) target_semaphore(%run_scoped3A : memref<!tpu.dma_semaphore, #tpu.memory_space<semaphore_mem>>)
      %dma_wait3A = arith.constant 0 : i32
      %dma_wait3A_118 = tpu.memref_slice %arg9[%add3A_18, %dma_wait3A] : memref<10304x128xf32, #tpu.memory_space<vmem_shared>> -> memref<64x128xf32, #tpu.memory_space<vmem_shared>>
      %dma_wait3A_119 = arith.constant 0 : i32
      %dma_wait3A_120 = tpu.memref_slice %arg9[%add3A_18, %dma_wait3A_119] : memref<10304x128xf32, #tpu.memory_space<vmem_shared>> -> memref<64x128xf32, #tpu.memory_space<vmem_shared>>
      tpu.wait_dma2 semaphore(%run_scoped3A : memref<!tpu.dma_semaphore, #tpu.memory_space<semaphore_mem>>) src(%arg7 : memref<64x128xf32, #tpu.memory_space<vmem>>) dst(%dma_wait3A_120 : memref<64x128xf32, #tpu.memory_space<vmem_shared>>)
      tpu.yield
    }) : () -> ()
    %add3A_19 = arith.constant 192 : i32
    %add3A_20 = arith.addi %mul3A_13, %add3A_19 : i32
    "tpu.region"() ({
      %run_scoped3A = tpu.sem_alloc : memref<!tpu.dma_semaphore, #tpu.memory_space<semaphore_mem>>
      %dma_start3A = arith.constant 0 : i32
      %dma_start3A_115 = tpu.memref_slice %arg9[%add3A_20, %dma_start3A] : memref<10304x128xf32, #tpu.memory_space<vmem_shared>> -> memref<64x128xf32, #tpu.memory_space<vmem_shared>>
      %dma_start3A_116 = arith.constant 0 : i32
      %dma_start3A_117 = tpu.memref_slice %arg9[%add3A_20, %dma_start3A_116] : memref<10304x128xf32, #tpu.memory_space<vmem_shared>> -> memref<64x128xf32, #tpu.memory_space<vmem_shared>>
      tpu.enqueue_dma source(%arg7 : memref<64x128xf32, #tpu.memory_space<vmem>>) target(%dma_start3A_117 : memref<64x128xf32, #tpu.memory_space<vmem_shared>>) target_semaphore(%run_scoped3A : memref<!tpu.dma_semaphore, #tpu.memory_space<semaphore_mem>>)
      %dma_wait3A = arith.constant 0 : i32
      %dma_wait3A_118 = tpu.memref_slice %arg9[%add3A_20, %dma_wait3A] : memref<10304x128xf32, #tpu.memory_space<vmem_shared>> -> memref<64x128xf32, #tpu.memory_space<vmem_shared>>
      %dma_wait3A_119 = arith.constant 0 : i32
      %dma_wait3A_120 = tpu.memref_slice %arg9[%add3A_20, %dma_wait3A_119] : memref<10304x128xf32, #tpu.memory_space<vmem_shared>> -> memref<64x128xf32, #tpu.memory_space<vmem_shared>>
      tpu.wait_dma2 semaphore(%run_scoped3A : memref<!tpu.dma_semaphore, #tpu.memory_space<semaphore_mem>>) src(%arg7 : memref<64x128xf32, #tpu.memory_space<vmem>>) dst(%dma_wait3A_120 : memref<64x128xf32, #tpu.memory_space<vmem_shared>>)
      tpu.yield
    }) : () -> ()
    %add3A_21 = arith.constant 256 : i32
    %add3A_22 = arith.addi %mul3A_13, %add3A_21 : i32
    "tpu.region"() ({
      %run_scoped3A = tpu.sem_alloc : memref<!tpu.dma_semaphore, #tpu.memory_space<semaphore_mem>>
      %dma_start3A = arith.constant 0 : i32
      %dma_start3A_115 = tpu.memref_slice %arg9[%add3A_22, %dma_start3A] : memref<10304x128xf32, #tpu.memory_space<vmem_shared>> -> memref<64x128xf32, #tpu.memory_space<vmem_shared>>
      %dma_start3A_116 = arith.constant 0 : i32
      %dma_start3A_117 = tpu.memref_slice %arg9[%add3A_22, %dma_start3A_116] : memref<10304x128xf32, #tpu.memory_space<vmem_shared>> -> memref<64x128xf32, #tpu.memory_space<vmem_shared>>
      tpu.enqueue_dma source(%arg7 : memref<64x128xf32, #tpu.memory_space<vmem>>) target(%dma_start3A_117 : memref<64x128xf32, #tpu.memory_space<vmem_shared>>) target_semaphore(%run_scoped3A : memref<!tpu.dma_semaphore, #tpu.memory_space<semaphore_mem>>)
      %dma_wait3A = arith.constant 0 : i32
      %dma_wait3A_118 = tpu.memref_slice %arg9[%add3A_22, %dma_wait3A] : memref<10304x128xf32, #tpu.memory_space<vmem_shared>> -> memref<64x128xf32, #tpu.memory_space<vmem_shared>>
      %dma_wait3A_119 = arith.constant 0 : i32
      %dma_wait3A_120 = tpu.memref_slice %arg9[%add3A_22, %dma_wait3A_119] : memref<10304x128xf32, #tpu.memory_space<vmem_shared>> -> memref<64x128xf32, #tpu.memory_space<vmem_shared>>
      tpu.wait_dma2 semaphore(%run_scoped3A : memref<!tpu.dma_semaphore, #tpu.memory_space<semaphore_mem>>) src(%arg7 : memref<64x128xf32, #tpu.memory_space<vmem>>) dst(%dma_wait3A_120 : memref<64x128xf32, #tpu.memory_space<vmem_shared>>)
      tpu.yield
    }) : () -> ()
    %add3A_23 = arith.constant 320 : i32
    %add3A_24 = arith.addi %mul3A_13, %add3A_23 : i32
    "tpu.region"() ({
      %run_scoped3A = tpu.sem_alloc : memref<!tpu.dma_semaphore, #tpu.memory_space<semaphore_mem>>
      %dma_start3A = arith.constant 0 : i32
      %dma_start3A_115 = tpu.memref_slice %arg9[%add3A_24, %dma_start3A] : memref<10304x128xf32, #tpu.memory_space<vmem_shared>> -> memref<64x128xf32, #tpu.memory_space<vmem_shared>>
      %dma_start3A_116 = arith.constant 0 : i32
      %dma_start3A_117 = tpu.memref_slice %arg9[%add3A_24, %dma_start3A_116] : memref<10304x128xf32, #tpu.memory_space<vmem_shared>> -> memref<64x128xf32, #tpu.memory_space<vmem_shared>>
      tpu.enqueue_dma source(%arg7 : memref<64x128xf32, #tpu.memory_space<vmem>>) target(%dma_start3A_117 : memref<64x128xf32, #tpu.memory_space<vmem_shared>>) target_semaphore(%run_scoped3A : memref<!tpu.dma_semaphore, #tpu.memory_space<semaphore_mem>>)
      %dma_wait3A = arith.constant 0 : i32
      %dma_wait3A_118 = tpu.memref_slice %arg9[%add3A_24, %dma_wait3A] : memref<10304x128xf32, #tpu.memory_space<vmem_shared>> -> memref<64x128xf32, #tpu.memory_space<vmem_shared>>
      %dma_wait3A_119 = arith.constant 0 : i32
      %dma_wait3A_120 = tpu.memref_slice %arg9[%add3A_24, %dma_wait3A_119] : memref<10304x128xf32, #tpu.memory_space<vmem_shared>> -> memref<64x128xf32, #tpu.memory_space<vmem_shared>>
      tpu.wait_dma2 semaphore(%run_scoped3A : memref<!tpu.dma_semaphore, #tpu.memory_space<semaphore_mem>>) src(%arg7 : memref<64x128xf32, #tpu.memory_space<vmem>>) dst(%dma_wait3A_120 : memref<64x128xf32, #tpu.memory_space<vmem_shared>>)
      tpu.yield
    }) : () -> ()
    %add3A_25 = arith.constant 384 : i32
    %add3A_26 = arith.addi %mul3A_13, %add3A_25 : i32
    "tpu.region"() ({
      %run_scoped3A = tpu.sem_alloc : memref<!tpu.dma_semaphore, #tpu.memory_space<semaphore_mem>>
      %dma_start3A = arith.constant 0 : i32
      %dma_start3A_115 = tpu.memref_slice %arg9[%add3A_26, %dma_start3A] : memref<10304x128xf32, #tpu.memory_space<vmem_shared>> -> memref<64x128xf32, #tpu.memory_space<vmem_shared>>
      %dma_start3A_116 = arith.constant 0 : i32
      %dma_start3A_117 = tpu.memref_slice %arg9[%add3A_26, %dma_start3A_116] : memref<10304x128xf32, #tpu.memory_space<vmem_shared>> -> memref<64x128xf32, #tpu.memory_space<vmem_shared>>
      tpu.enqueue_dma source(%arg7 : memref<64x128xf32, #tpu.memory_space<vmem>>) target(%dma_start3A_117 : memref<64x128xf32, #tpu.memory_space<vmem_shared>>) target_semaphore(%run_scoped3A : memref<!tpu.dma_semaphore, #tpu.memory_space<semaphore_mem>>)
      %dma_wait3A = arith.constant 0 : i32
      %dma_wait3A_118 = tpu.memref_slice %arg9[%add3A_26, %dma_wait3A] : memref<10304x128xf32, #tpu.memory_space<vmem_shared>> -> memref<64x128xf32, #tpu.memory_space<vmem_shared>>
      %dma_wait3A_119 = arith.constant 0 : i32
      %dma_wait3A_120 = tpu.memref_slice %arg9[%add3A_26, %dma_wait3A_119] : memref<10304x128xf32, #tpu.memory_space<vmem_shared>> -> memref<64x128xf32, #tpu.memory_space<vmem_shared>>
      tpu.wait_dma2 semaphore(%run_scoped3A : memref<!tpu.dma_semaphore, #tpu.memory_space<semaphore_mem>>) src(%arg7 : memref<64x128xf32, #tpu.memory_space<vmem>>) dst(%dma_wait3A_120 : memref<64x128xf32, #tpu.memory_space<vmem_shared>>)
      tpu.yield
    }) : () -> ()
    %add3A_27 = arith.constant 448 : i32
    %add3A_28 = arith.addi %mul3A_13, %add3A_27 : i32
    "tpu.region"() ({
      %run_scoped3A = tpu.sem_alloc : memref<!tpu.dma_semaphore, #tpu.memory_space<semaphore_mem>>
      %dma_start3A = arith.constant 0 : i32
      %dma_start3A_115 = tpu.memref_slice %arg9[%add3A_28, %dma_start3A] : memref<10304x128xf32, #tpu.memory_space<vmem_shared>> -> memref<64x128xf32, #tpu.memory_space<vmem_shared>>
      %dma_start3A_116 = arith.constant 0 : i32
      %dma_start3A_117 = tpu.memref_slice %arg9[%add3A_28, %dma_start3A_116] : memref<10304x128xf32, #tpu.memory_space<vmem_shared>> -> memref<64x128xf32, #tpu.memory_space<vmem_shared>>
      tpu.enqueue_dma source(%arg7 : memref<64x128xf32, #tpu.memory_space<vmem>>) target(%dma_start3A_117 : memref<64x128xf32, #tpu.memory_space<vmem_shared>>) target_semaphore(%run_scoped3A : memref<!tpu.dma_semaphore, #tpu.memory_space<semaphore_mem>>)
      %dma_wait3A = arith.constant 0 : i32
      %dma_wait3A_118 = tpu.memref_slice %arg9[%add3A_28, %dma_wait3A] : memref<10304x128xf32, #tpu.memory_space<vmem_shared>> -> memref<64x128xf32, #tpu.memory_space<vmem_shared>>
      %dma_wait3A_119 = arith.constant 0 : i32
      %dma_wait3A_120 = tpu.memref_slice %arg9[%add3A_28, %dma_wait3A_119] : memref<10304x128xf32, #tpu.memory_space<vmem_shared>> -> memref<64x128xf32, #tpu.memory_space<vmem_shared>>
      tpu.wait_dma2 semaphore(%run_scoped3A : memref<!tpu.dma_semaphore, #tpu.memory_space<semaphore_mem>>) src(%arg7 : memref<64x128xf32, #tpu.memory_space<vmem>>) dst(%dma_wait3A_120 : memref<64x128xf32, #tpu.memory_space<vmem_shared>>)
      tpu.yield
    }) : () -> ()
    %add3A_29 = arith.constant 512 : i32
    %add3A_30 = arith.addi %mul3A_13, %add3A_29 : i32
    "tpu.region"() ({
      %run_scoped3A = tpu.sem_alloc : memref<!tpu.dma_semaphore, #tpu.memory_space<semaphore_mem>>
      %dma_start3A = arith.constant 0 : i32
      %dma_start3A_115 = tpu.memref_slice %arg9[%add3A_30, %dma_start3A] : memref<10304x128xf32, #tpu.memory_space<vmem_shared>> -> memref<64x128xf32, #tpu.memory_space<vmem_shared>>
      %dma_start3A_116 = arith.constant 0 : i32
      %dma_start3A_117 = tpu.memref_slice %arg9[%add3A_30, %dma_start3A_116] : memref<10304x128xf32, #tpu.memory_space<vmem_shared>> -> memref<64x128xf32, #tpu.memory_space<vmem_shared>>
      tpu.enqueue_dma source(%arg7 : memref<64x128xf32, #tpu.memory_space<vmem>>) target(%dma_start3A_117 : memref<64x128xf32, #tpu.memory_space<vmem_shared>>) target_semaphore(%run_scoped3A : memref<!tpu.dma_semaphore, #tpu.memory_space<semaphore_mem>>)
      %dma_wait3A = arith.constant 0 : i32
      %dma_wait3A_118 = tpu.memref_slice %arg9[%add3A_30, %dma_wait3A] : memref<10304x128xf32, #tpu.memory_space<vmem_shared>> -> memref<64x128xf32, #tpu.memory_space<vmem_shared>>
      %dma_wait3A_119 = arith.constant 0 : i32
      %dma_wait3A_120 = tpu.memref_slice %arg9[%add3A_30, %dma_wait3A_119] : memref<10304x128xf32, #tpu.memory_space<vmem_shared>> -> memref<64x128xf32, #tpu.memory_space<vmem_shared>>
      tpu.wait_dma2 semaphore(%run_scoped3A : memref<!tpu.dma_semaphore, #tpu.memory_space<semaphore_mem>>) src(%arg7 : memref<64x128xf32, #tpu.memory_space<vmem>>) dst(%dma_wait3A_120 : memref<64x128xf32, #tpu.memory_space<vmem_shared>>)
      tpu.yield
    }) : () -> ()
    %add3A_31 = arith.constant 576 : i32
    %add3A_32 = arith.addi %mul3A_13, %add3A_31 : i32
    "tpu.region"() ({
      %run_scoped3A = tpu.sem_alloc : memref<!tpu.dma_semaphore, #tpu.memory_space<semaphore_mem>>
      %dma_start3A = arith.constant 0 : i32
      %dma_start3A_115 = tpu.memref_slice %arg9[%add3A_32, %dma_start3A] : memref<10304x128xf32, #tpu.memory_space<vmem_shared>> -> memref<64x128xf32, #tpu.memory_space<vmem_shared>>
      %dma_start3A_116 = arith.constant 0 : i32
      %dma_start3A_117 = tpu.memref_slice %arg9[%add3A_32, %dma_start3A_116] : memref<10304x128xf32, #tpu.memory_space<vmem_shared>> -> memref<64x128xf32, #tpu.memory_space<vmem_shared>>
      tpu.enqueue_dma source(%arg7 : memref<64x128xf32, #tpu.memory_space<vmem>>) target(%dma_start3A_117 : memref<64x128xf32, #tpu.memory_space<vmem_shared>>) target_semaphore(%run_scoped3A : memref<!tpu.dma_semaphore, #tpu.memory_space<semaphore_mem>>)
      %dma_wait3A = arith.constant 0 : i32
      %dma_wait3A_118 = tpu.memref_slice %arg9[%add3A_32, %dma_wait3A] : memref<10304x128xf32, #tpu.memory_space<vmem_shared>> -> memref<64x128xf32, #tpu.memory_space<vmem_shared>>
      %dma_wait3A_119 = arith.constant 0 : i32
      %dma_wait3A_120 = tpu.memref_slice %arg9[%add3A_32, %dma_wait3A_119] : memref<10304x128xf32, #tpu.memory_space<vmem_shared>> -> memref<64x128xf32, #tpu.memory_space<vmem_shared>>
      tpu.wait_dma2 semaphore(%run_scoped3A : memref<!tpu.dma_semaphore, #tpu.memory_space<semaphore_mem>>) src(%arg7 : memref<64x128xf32, #tpu.memory_space<vmem>>) dst(%dma_wait3A_120 : memref<64x128xf32, #tpu.memory_space<vmem_shared>>)
      tpu.yield
    }) : () -> ()
    %add3A_33 = arith.constant 640 : i32
    %add3A_34 = arith.addi %mul3A_13, %add3A_33 : i32
    "tpu.region"() ({
      %run_scoped3A = tpu.sem_alloc : memref<!tpu.dma_semaphore, #tpu.memory_space<semaphore_mem>>
      %dma_start3A = arith.constant 0 : i32
      %dma_start3A_115 = arith.constant 0 : i32
      %dma_start3A_116 = tpu.memref_slice %arg7[%dma_start3A, %dma_start3A_115] : memref<64x128xf32, #tpu.memory_space<vmem>> -> memref<4x128xf32, #tpu.memory_space<vmem>>
      %dma_start3A_117 = arith.constant 0 : i32
      %dma_start3A_118 = tpu.memref_slice %arg9[%add3A_34, %dma_start3A_117] : memref<10304x128xf32, #tpu.memory_space<vmem_shared>> -> memref<4x128xf32, #tpu.memory_space<vmem_shared>>
      %dma_start3A_119 = arith.constant 0 : i32
      %dma_start3A_120 = tpu.memref_slice %arg9[%add3A_34, %dma_start3A_119] : memref<10304x128xf32, #tpu.memory_space<vmem_shared>> -> memref<4x128xf32, #tpu.memory_space<vmem_shared>>
      %dma_start3A_121 = arith.constant 0 : i32
      %dma_start3A_122 = arith.constant 0 : i32
      %dma_start3A_123 = tpu.memref_slice %arg7[%dma_start3A_121, %dma_start3A_122] : memref<64x128xf32, #tpu.memory_space<vmem>> -> memref<4x128xf32, #tpu.memory_space<vmem>>
      tpu.enqueue_dma source(%dma_start3A_123 : memref<4x128xf32, #tpu.memory_space<vmem>>) target(%dma_start3A_120 : memref<4x128xf32, #tpu.memory_space<vmem_shared>>) target_semaphore(%run_scoped3A : memref<!tpu.dma_semaphore, #tpu.memory_space<semaphore_mem>>)
      %dma_wait3A = arith.constant 0 : i32
      %dma_wait3A_124 = arith.constant 0 : i32
      %dma_wait3A_125 = tpu.memref_slice %arg7[%dma_wait3A, %dma_wait3A_124] : memref<64x128xf32, #tpu.memory_space<vmem>> -> memref<4x128xf32, #tpu.memory_space<vmem>>
      %dma_wait3A_126 = arith.constant 0 : i32
      %dma_wait3A_127 = tpu.memref_slice %arg9[%add3A_34, %dma_wait3A_126] : memref<10304x128xf32, #tpu.memory_space<vmem_shared>> -> memref<4x128xf32, #tpu.memory_space<vmem_shared>>
      %dma_wait3A_128 = arith.constant 0 : i32
      %dma_wait3A_129 = tpu.memref_slice %arg9[%add3A_34, %dma_wait3A_128] : memref<10304x128xf32, #tpu.memory_space<vmem_shared>> -> memref<4x128xf32, #tpu.memory_space<vmem_shared>>
      %dma_wait3A_130 = arith.constant 0 : i32
      %dma_wait3A_131 = arith.constant 0 : i32
      %dma_wait3A_132 = tpu.memref_slice %arg7[%dma_wait3A_130, %dma_wait3A_131] : memref<64x128xf32, #tpu.memory_space<vmem>> -> memref<4x128xf32, #tpu.memory_space<vmem>>
      tpu.wait_dma2 semaphore(%run_scoped3A : memref<!tpu.dma_semaphore, #tpu.memory_space<semaphore_mem>>) src(%dma_wait3A_132 : memref<4x128xf32, #tpu.memory_space<vmem>>) dst(%dma_wait3A_129 : memref<4x128xf32, #tpu.memory_space<vmem_shared>>)
      tpu.yield
    }) : () -> ()
    %barrier3A = arith.constant 0 : index
    tpu.barrier barrier_id(%barrier3A)
    %scan3A_35 = arith.constant 0 : i32
    %scan3A_36 = arith.constant 0 : i32
    %scan3A_37 = arith.constant 79 : i32
    %scan3A_38 = arith.addi %scan3A_36, %scan3A_37 : i32
    %scan3A_39 = arith.constant 1 : i32
    %scan3A_40 = scf.for %scan3A_115 = %scan3A_36 to %scan3A_38 step %scan3A_39 iter_args(%scan3A_116 = %scan3A_35) -> (i32)  : i32 {
      %mul3A_117 = arith.constant 16 : i32
      %mul3A_118 = arith.muli %arg0, %mul3A_117 : i32
      %add3A_119 = arith.addi %mul3A_118, %arg1 : i32
      %mul3A_120 = arith.constant 79 : i32
      %mul3A_121 = arith.muli %add3A_119, %mul3A_120 : i32
      %add3A_122 = arith.addi %mul3A_121, %scan3A_115 : i32
      %mul3A_123 = arith.constant 128 : i32
      %mul3A_124 = arith.muli %add3A_122, %mul3A_123 : i32
      "tpu.region"() ({
        %run_scoped3A = tpu.sem_alloc : memref<!tpu.dma_semaphore, #tpu.memory_space<semaphore_mem>>
        %dma_start3A = tpu.memref_slice %arg2[%mul3A_124] : memref<323584xi32, #tpu.memory_space<hbm>> -> memref<128xi32, #tpu.memory_space<hbm>>
        %dma_start3A_133 = tpu.memref_slice %arg2[%mul3A_124] : memref<323584xi32, #tpu.memory_space<hbm>> -> memref<128xi32, #tpu.memory_space<hbm>>
        tpu.enqueue_dma source(%dma_start3A_133 : memref<128xi32, #tpu.memory_space<hbm>>) target(%arg4 : memref<128xi32, #tpu.memory_space<vmem>>) target_semaphore(%run_scoped3A : memref<!tpu.dma_semaphore, #tpu.memory_space<semaphore_mem>>)
        %dma_wait3A = tpu.memref_slice %arg2[%mul3A_124] : memref<323584xi32, #tpu.memory_space<hbm>> -> memref<128xi32, #tpu.memory_space<hbm>>
        %dma_wait3A_134 = tpu.memref_slice %arg2[%mul3A_124] : memref<323584xi32, #tpu.memory_space<hbm>> -> memref<128xi32, #tpu.memory_space<hbm>>
        tpu.wait_dma2 semaphore(%run_scoped3A : memref<!tpu.dma_semaphore, #tpu.memory_space<semaphore_mem>>) src(%dma_wait3A_134 : memref<128xi32, #tpu.memory_space<hbm>>) dst(%arg4 : memref<128xi32, #tpu.memory_space<vmem>>)
        tpu.yield
      }) : () -> ()
      %scan3A_125 = arith.constant 0 : i32
      %scan3A_126 = arith.constant 0 : i32
      %scan3A_127 = arith.constant 8 : i32
      %scan3A_128 = arith.addi %scan3A_126, %scan3A_127 : i32
      %scan3A_129 = arith.constant 1 : i32
      %scan3A_130 = scf.for %scan3A_133 = %scan3A_126 to %scan3A_128 step %scan3A_129 iter_args(%scan3A_134 = %scan3A_125) -> (i32)  : i32 {
        %mul3A_135 = arith.constant 16 : i32
        %mul3A_136 = arith.muli %scan3A_133, %mul3A_135 : i32
        %get3A = arith.index_cast %mul3A_136 : i32 to index
        %get3A_137 = tpu.vector_load %arg4[%get3A] {strides = array<i32>} : memref<128xi32, #tpu.memory_space<vmem>>, vector<16xi32>,
        %get3A_138 = vector.shape_cast %get3A_137 : vector<16xi32> to vector<16xi32>
        %lt3A = arith.constant 10240 : i32
        %lt3A_139 = vector.broadcast %lt3A : i32 to vector<16xi32>
        %lt3A_140 = arith.cmpi slt, %get3A_138, %lt3A_139 : vector<16xi32>
        %and3A = arith.constant 63 : i32
        %and3A_141 = vector.broadcast %and3A : i32 to vector<16xi32>
        %and3A_142 = arith.andi %get3A_138, %and3A_141 : vector<16xi32>
        %add3A_143 = arith.constant 10240 : i32
        %add3A_144 = vector.broadcast %add3A_143 : i32 to vector<16xi32>
        %add3A_145 = arith.addi %add3A_144, %and3A_142 : vector<16xi32>
        %select_n3A = arith.select %lt3A_140, %get3A_138, %add3A_145 : vector<16xi1>, vector<16xi32>
        %swap3A = arith.index_cast %mul3A_136 : i32 to index
        %swap3A_146 = tpu.vector_load %arg5[%swap3A] {strides = array<i32>} : memref<128xi32, #tpu.memory_space<vmem>>, vector<16xi32>,
        %swap3A_147 = vector.shape_cast %swap3A_146 : vector<16xi32> to vector<16xi32>
        %swap3A_148 = vector.shape_cast %select_n3A : vector<16xi32> to vector<16xi32>
        tpu.vector_store %arg5[%swap3A], %swap3A_148 {strides = array<i32>} : memref<128xi32, #tpu.memory_space<vmem>>, vector<16xi32>,
        %scan3A_149 = arith.constant 0 : i32
        scf.yield %scan3A_149 : i32
      }
      %scan3A_131 = arith.constant 8 : i32
      "tpu.region"() ({
        %run_scoped3A = tpu.sem_alloc : memref<!tpu.dma_semaphore, #tpu.memory_space<semaphore_mem>>
        %dma_start3A = arith.constant 0 : i32
        %dma_start3A_133 = arith.constant 0 : i32
        %dma_start3A_134 = tpu.memref_slice %arg9[%dma_start3A, %dma_start3A_133] : memref<10304x128xf32, #tpu.memory_space<vmem_shared>> -> memref<10304x128xf32, #tpu.memory_space<vmem_shared>>
        tpu.enqueue_indirect_dma source(%arg6 : memref<128x128xf32, #tpu.memory_space<vmem>>) target(%dma_start3A_134 : memref<10304x128xf32, #tpu.memory_space<vmem_shared>>) offsets(%arg5 : memref<128xi32, #tpu.memory_space<vmem>>) semaphore(%run_scoped3A : memref<!tpu.dma_semaphore, #tpu.memory_space<semaphore_mem>>) {add = true}
        %dma_wait3A = arith.constant 0 : i32
        %dma_wait3A_135 = arith.constant 0 : i32
        %dma_wait3A_136 = tpu.memref_slice %arg9[%dma_wait3A, %dma_wait3A_135] : memref<10304x128xf32, #tpu.memory_space<vmem_shared>> -> memref<10304x128xf32, #tpu.memory_space<vmem_shared>>
        tpu.wait_indirect_dma semaphore(%run_scoped3A : memref<!tpu.dma_semaphore, #tpu.memory_space<semaphore_mem>>) src(%arg6 : memref<128x128xf32, #tpu.memory_space<vmem>>) dst(%dma_wait3A_136 : memref<10304x128xf32, #tpu.memory_space<vmem_shared>>)
        tpu.yield
      }) : () -> ()
      %scan3A_132 = arith.constant 0 : i32
      scf.yield %scan3A_132 : i32
    }
    %scan3A_41 = arith.constant 79 : i32
    %barrier3A_42 = arith.constant 0 : index
    tpu.barrier barrier_id(%barrier3A_42)
    %mul3A_43 = arith.constant 640 : i32
    %mul3A_44 = arith.muli %arg1, %mul3A_43 : i32
    %add3A_45 = arith.constant 0 : i32
    %add3A_46 = arith.addi %mul3A_44, %add3A_45 : i32
    "tpu.region"() ({
      %run_scoped3A = tpu.sem_alloc : memref<!tpu.dma_semaphore, #tpu.memory_space<semaphore_mem>>
      %dma_start3A = arith.constant 0 : i32
      %dma_start3A_115 = tpu.memref_slice %arg9[%add3A_46, %dma_start3A] : memref<10304x128xf32, #tpu.memory_space<vmem_shared>> -> memref<64x128xf32, #tpu.memory_space<vmem_shared>>
      %dma_start3A_116 = arith.constant 0 : i32
      %dma_start3A_117 = tpu.memref_slice %arg9[%add3A_46, %dma_start3A_116] : memref<10304x128xf32, #tpu.memory_space<vmem_shared>> -> memref<64x128xf32, #tpu.memory_space<vmem_shared>>
      tpu.enqueue_dma source(%dma_start3A_117 : memref<64x128xf32, #tpu.memory_space<vmem_shared>>) target(%arg8 : memref<64x128xf32, #tpu.memory_space<vmem>>) target_semaphore(%run_scoped3A : memref<!tpu.dma_semaphore, #tpu.memory_space<semaphore_mem>>)
      %dma_wait3A = arith.constant 0 : i32
      %dma_wait3A_118 = tpu.memref_slice %arg9[%add3A_46, %dma_wait3A] : memref<10304x128xf32, #tpu.memory_space<vmem_shared>> -> memref<64x128xf32, #tpu.memory_space<vmem_shared>>
      %dma_wait3A_119 = arith.constant 0 : i32
      %dma_wait3A_120 = tpu.memref_slice %arg9[%add3A_46, %dma_wait3A_119] : memref<10304x128xf32, #tpu.memory_space<vmem_shared>> -> memref<64x128xf32, #tpu.memory_space<vmem_shared>>
      tpu.wait_dma2 semaphore(%run_scoped3A : memref<!tpu.dma_semaphore, #tpu.memory_space<semaphore_mem>>) src(%dma_wait3A_120 : memref<64x128xf32, #tpu.memory_space<vmem_shared>>) dst(%arg8 : memref<64x128xf32, #tpu.memory_space<vmem>>)
      tpu.yield
    }) : () -> ()
    %mul3A_47 = arith.constant 10240 : i32
    %mul3A_48 = arith.muli %arg0, %mul3A_47 : i32
    %add3A_49 = arith.addi %mul3A_48, %mul3A_44 : i32
    %add3A_50 = arith.constant 0 : i32
    %add3A_51 = arith.addi %add3A_49, %add3A_50 : i32
    "tpu.region"() ({
      %run_scoped3A = tpu.sem_alloc : memref<!tpu.dma_semaphore, #tpu.memory_space<semaphore_mem>>
      %dma_start3A = arith.constant 0 : i32
      %dma_start3A_115 = tpu.memref_slice %arg3[%add3A_51, %dma_start3A] : memref<20480x128xf32, #tpu.memory_space<hbm>> -> memref<64x128xf32, #tpu.memory_space<hbm>>
      %dma_start3A_116 = arith.constant 0 : i32
      %dma_start3A_117 = tpu.memref_slice %arg3[%add3A_51, %dma_start3A_116] : memref<20480x128xf32, #tpu.memory_space<hbm>> -> memref<64x128xf32, #tpu.memory_space<hbm>>
      tpu.enqueue_dma source(%arg8 : memref<64x128xf32, #tpu.memory_space<vmem>>) target(%dma_start3A_117 : memref<64x128xf32, #tpu.memory_space<hbm>>) target_semaphore(%run_scoped3A : memref<!tpu.dma_semaphore, #tpu.memory_space<semaphore_mem>>)
      %dma_wait3A = arith.constant 0 : i32
      %dma_wait3A_118 = tpu.memref_slice %arg3[%add3A_51, %dma_wait3A] : memref<20480x128xf32, #tpu.memory_space<hbm>> -> memref<64x128xf32, #tpu.memory_space<hbm>>
      %dma_wait3A_119 = arith.constant 0 : i32
      %dma_wait3A_120 = tpu.memref_slice %arg3[%add3A_51, %dma_wait3A_119] : memref<20480x128xf32, #tpu.memory_space<hbm>> -> memref<64x128xf32, #tpu.memory_space<hbm>>
      tpu.wait_dma2 semaphore(%run_scoped3A : memref<!tpu.dma_semaphore, #tpu.memory_space<semaphore_mem>>) src(%arg8 : memref<64x128xf32, #tpu.memory_space<vmem>>) dst(%dma_wait3A_120 : memref<64x128xf32, #tpu.memory_space<hbm>>)
      tpu.yield
    }) : () -> ()
    %add3A_52 = arith.constant 64 : i32
    %add3A_53 = arith.addi %mul3A_44, %add3A_52 : i32
    "tpu.region"() ({
      %run_scoped3A = tpu.sem_alloc : memref<!tpu.dma_semaphore, #tpu.memory_space<semaphore_mem>>
      %dma_start3A = arith.constant 0 : i32
      %dma_start3A_115 = tpu.memref_slice %arg9[%add3A_53, %dma_start3A] : memref<10304x128xf32, #tpu.memory_space<vmem_shared>> -> memref<64x128xf32, #tpu.memory_space<vmem_shared>>
      %dma_start3A_116 = arith.constant 0 : i32
      %dma_start3A_117 = tpu.memref_slice %arg9[%add3A_53, %dma_start3A_116] : memref<10304x128xf32, #tpu.memory_space<vmem_shared>> -> memref<64x128xf32, #tpu.memory_space<vmem_shared>>
      tpu.enqueue_dma source(%dma_start3A_117 : memref<64x128xf32, #tpu.memory_space<vmem_shared>>) target(%arg8 : memref<64x128xf32, #tpu.memory_space<vmem>>) target_semaphore(%run_scoped3A : memref<!tpu.dma_semaphore, #tpu.memory_space<semaphore_mem>>)
      %dma_wait3A = arith.constant 0 : i32
      %dma_wait3A_118 = tpu.memref_slice %arg9[%add3A_53, %dma_wait3A] : memref<10304x128xf32, #tpu.memory_space<vmem_shared>> -> memref<64x128xf32, #tpu.memory_space<vmem_shared>>
      %dma_wait3A_119 = arith.constant 0 : i32
      %dma_wait3A_120 = tpu.memref_slice %arg9[%add3A_53, %dma_wait3A_119] : memref<10304x128xf32, #tpu.memory_space<vmem_shared>> -> memref<64x128xf32, #tpu.memory_space<vmem_shared>>
      tpu.wait_dma2 semaphore(%run_scoped3A : memref<!tpu.dma_semaphore, #tpu.memory_space<semaphore_mem>>) src(%dma_wait3A_120 : memref<64x128xf32, #tpu.memory_space<vmem_shared>>) dst(%arg8 : memref<64x128xf32, #tpu.memory_space<vmem>>)
      tpu.yield
    }) : () -> ()
    %mul3A_54 = arith.constant 10240 : i32
    %mul3A_55 = arith.muli %arg0, %mul3A_54 : i32
    %add3A_56 = arith.addi %mul3A_55, %mul3A_44 : i32
    %add3A_57 = arith.constant 64 : i32
    %add3A_58 = arith.addi %add3A_56, %add3A_57 : i32
    "tpu.region"() ({
      %run_scoped3A = tpu.sem_alloc : memref<!tpu.dma_semaphore, #tpu.memory_space<semaphore_mem>>
      %dma_start3A = arith.constant 0 : i32
      %dma_start3A_115 = tpu.memref_slice %arg3[%add3A_58, %dma_start3A] : memref<20480x128xf32, #tpu.memory_space<hbm>> -> memref<64x128xf32, #tpu.memory_space<hbm>>
      %dma_start3A_116 = arith.constant 0 : i32
      %dma_start3A_117 = tpu.memref_slice %arg3[%add3A_58, %dma_start3A_116] : memref<20480x128xf32, #tpu.memory_space<hbm>> -> memref<64x128xf32, #tpu.memory_space<hbm>>
      tpu.enqueue_dma source(%arg8 : memref<64x128xf32, #tpu.memory_space<vmem>>) target(%dma_start3A_117 : memref<64x128xf32, #tpu.memory_space<hbm>>) target_semaphore(%run_scoped3A : memref<!tpu.dma_semaphore, #tpu.memory_space<semaphore_mem>>)
      %dma_wait3A = arith.constant 0 : i32
      %dma_wait3A_118 = tpu.memref_slice %arg3[%add3A_58, %dma_wait3A] : memref<20480x128xf32, #tpu.memory_space<hbm>> -> memref<64x128xf32, #tpu.memory_space<hbm>>
      %dma_wait3A_119 = arith.constant 0 : i32
      %dma_wait3A_120 = tpu.memref_slice %arg3[%add3A_58, %dma_wait3A_119] : memref<20480x128xf32, #tpu.memory_space<hbm>> -> memref<64x128xf32, #tpu.memory_space<hbm>>
      tpu.wait_dma2 semaphore(%run_scoped3A : memref<!tpu.dma_semaphore, #tpu.memory_space<semaphore_mem>>) src(%arg8 : memref<64x128xf32, #tpu.memory_space<vmem>>) dst(%dma_wait3A_120 : memref<64x128xf32, #tpu.memory_space<hbm>>)
      tpu.yield
    }) : () -> ()
    %add3A_59 = arith.constant 128 : i32
    %add3A_60 = arith.addi %mul3A_44, %add3A_59 : i32
    "tpu.region"() ({
      %run_scoped3A = tpu.sem_alloc : memref<!tpu.dma_semaphore, #tpu.memory_space<semaphore_mem>>
      %dma_start3A = arith.constant 0 : i32
      %dma_start3A_115 = tpu.memref_slice %arg9[%add3A_60, %dma_start3A] : memref<10304x128xf32, #tpu.memory_space<vmem_shared>> -> memref<64x128xf32, #tpu.memory_space<vmem_shared>>
      %dma_start3A_116 = arith.constant 0 : i32
      %dma_start3A_117 = tpu.memref_slice %arg9[%add3A_60, %dma_start3A_116] : memref<10304x128xf32, #tpu.memory_space<vmem_shared>> -> memref<64x128xf32, #tpu.memory_space<vmem_shared>>
      tpu.enqueue_dma source(%dma_start3A_117 : memref<64x128xf32, #tpu.memory_space<vmem_shared>>) target(%arg8 : memref<64x128xf32, #tpu.memory_space<vmem>>) target_semaphore(%run_scoped3A : memref<!tpu.dma_semaphore, #tpu.memory_space<semaphore_mem>>)
      %dma_wait3A = arith.constant 0 : i32
      %dma_wait3A_118 = tpu.memref_slice %arg9[%add3A_60, %dma_wait3A] : memref<10304x128xf32, #tpu.memory_space<vmem_shared>> -> memref<64x128xf32, #tpu.memory_space<vmem_shared>>
      %dma_wait3A_119 = arith.constant 0 : i32
      %dma_wait3A_120 = tpu.memref_slice %arg9[%add3A_60, %dma_wait3A_119] : memref<10304x128xf32, #tpu.memory_space<vmem_shared>> -> memref<64x128xf32, #tpu.memory_space<vmem_shared>>
      tpu.wait_dma2 semaphore(%run_scoped3A : memref<!tpu.dma_semaphore, #tpu.memory_space<semaphore_mem>>) src(%dma_wait3A_120 : memref<64x128xf32, #tpu.memory_space<vmem_shared>>) dst(%arg8 : memref<64x128xf32, #tpu.memory_space<vmem>>)
      tpu.yield
    }) : () -> ()
    %mul3A_61 = arith.constant 10240 : i32
    %mul3A_62 = arith.muli %arg0, %mul3A_61 : i32
    %add3A_63 = arith.addi %mul3A_62, %mul3A_44 : i32
    %add3A_64 = arith.constant 128 : i32
    %add3A_65 = arith.addi %add3A_63, %add3A_64 : i32
    "tpu.region"() ({
      %run_scoped3A = tpu.sem_alloc : memref<!tpu.dma_semaphore, #tpu.memory_space<semaphore_mem>>
      %dma_start3A = arith.constant 0 : i32
      %dma_start3A_115 = tpu.memref_slice %arg3[%add3A_65, %dma_start3A] : memref<20480x128xf32, #tpu.memory_space<hbm>> -> memref<64x128xf32, #tpu.memory_space<hbm>>
      %dma_start3A_116 = arith.constant 0 : i32
      %dma_start3A_117 = tpu.memref_slice %arg3[%add3A_65, %dma_start3A_116] : memref<20480x128xf32, #tpu.memory_space<hbm>> -> memref<64x128xf32, #tpu.memory_space<hbm>>
      tpu.enqueue_dma source(%arg8 : memref<64x128xf32, #tpu.memory_space<vmem>>) target(%dma_start3A_117 : memref<64x128xf32, #tpu.memory_space<hbm>>) target_semaphore(%run_scoped3A : memref<!tpu.dma_semaphore, #tpu.memory_space<semaphore_mem>>)
      %dma_wait3A = arith.constant 0 : i32
      %dma_wait3A_118 = tpu.memref_slice %arg3[%add3A_65, %dma_wait3A] : memref<20480x128xf32, #tpu.memory_space<hbm>> -> memref<64x128xf32, #tpu.memory_space<hbm>>
      %dma_wait3A_119 = arith.constant 0 : i32
      %dma_wait3A_120 = tpu.memref_slice %arg3[%add3A_65, %dma_wait3A_119] : memref<20480x128xf32, #tpu.memory_space<hbm>> -> memref<64x128xf32, #tpu.memory_space<hbm>>
      tpu.wait_dma2 semaphore(%run_scoped3A : memref<!tpu.dma_semaphore, #tpu.memory_space<semaphore_mem>>) src(%arg8 : memref<64x128xf32, #tpu.memory_space<vmem>>) dst(%dma_wait3A_120 : memref<64x128xf32, #tpu.memory_space<hbm>>)
      tpu.yield
    }) : () -> ()
    %add3A_66 = arith.constant 192 : i32
    %add3A_67 = arith.addi %mul3A_44, %add3A_66 : i32
    "tpu.region"() ({
      %run_scoped3A = tpu.sem_alloc : memref<!tpu.dma_semaphore, #tpu.memory_space<semaphore_mem>>
      %dma_start3A = arith.constant 0 : i32
      %dma_start3A_115 = tpu.memref_slice %arg9[%add3A_67, %dma_start3A] : memref<10304x128xf32, #tpu.memory_space<vmem_shared>> -> memref<64x128xf32, #tpu.memory_space<vmem_shared>>
      %dma_start3A_116 = arith.constant 0 : i32
      %dma_start3A_117 = tpu.memref_slice %arg9[%add3A_67, %dma_start3A_116] : memref<10304x128xf32, #tpu.memory_space<vmem_shared>> -> memref<64x128xf32, #tpu.memory_space<vmem_shared>>
      tpu.enqueue_dma source(%dma_start3A_117 : memref<64x128xf32, #tpu.memory_space<vmem_shared>>) target(%arg8 : memref<64x128xf32, #tpu.memory_space<vmem>>) target_semaphore(%run_scoped3A : memref<!tpu.dma_semaphore, #tpu.memory_space<semaphore_mem>>)
      %dma_wait3A = arith.constant 0 : i32
      %dma_wait3A_118 = tpu.memref_slice %arg9[%add3A_67, %dma_wait3A] : memref<10304x128xf32, #tpu.memory_space<vmem_shared>> -> memref<64x128xf32, #tpu.memory_space<vmem_shared>>
      %dma_wait3A_119 = arith.constant 0 : i32
      %dma_wait3A_120 = tpu.memref_slice %arg9[%add3A_67, %dma_wait3A_119] : memref<10304x128xf32, #tpu.memory_space<vmem_shared>> -> memref<64x128xf32, #tpu.memory_space<vmem_shared>>
      tpu.wait_dma2 semaphore(%run_scoped3A : memref<!tpu.dma_semaphore, #tpu.memory_space<semaphore_mem>>) src(%dma_wait3A_120 : memref<64x128xf32, #tpu.memory_space<vmem_shared>>) dst(%arg8 : memref<64x128xf32, #tpu.memory_space<vmem>>)
      tpu.yield
    }) : () -> ()
    %mul3A_68 = arith.constant 10240 : i32
    %mul3A_69 = arith.muli %arg0, %mul3A_68 : i32
    %add3A_70 = arith.addi %mul3A_69, %mul3A_44 : i32
    %add3A_71 = arith.constant 192 : i32
    %add3A_72 = arith.addi %add3A_70, %add3A_71 : i32
    "tpu.region"() ({
      %run_scoped3A = tpu.sem_alloc : memref<!tpu.dma_semaphore, #tpu.memory_space<semaphore_mem>>
      %dma_start3A = arith.constant 0 : i32
      %dma_start3A_115 = tpu.memref_slice %arg3[%add3A_72, %dma_start3A] : memref<20480x128xf32, #tpu.memory_space<hbm>> -> memref<64x128xf32, #tpu.memory_space<hbm>>
      %dma_start3A_116 = arith.constant 0 : i32
      %dma_start3A_117 = tpu.memref_slice %arg3[%add3A_72, %dma_start3A_116] : memref<20480x128xf32, #tpu.memory_space<hbm>> -> memref<64x128xf32, #tpu.memory_space<hbm>>
      tpu.enqueue_dma source(%arg8 : memref<64x128xf32, #tpu.memory_space<vmem>>) target(%dma_start3A_117 : memref<64x128xf32, #tpu.memory_space<hbm>>) target_semaphore(%run_scoped3A : memref<!tpu.dma_semaphore, #tpu.memory_space<semaphore_mem>>)
      %dma_wait3A = arith.constant 0 : i32
      %dma_wait3A_118 = tpu.memref_slice %arg3[%add3A_72, %dma_wait3A] : memref<20480x128xf32, #tpu.memory_space<hbm>> -> memref<64x128xf32, #tpu.memory_space<hbm>>
      %dma_wait3A_119 = arith.constant 0 : i32
      %dma_wait3A_120 = tpu.memref_slice %arg3[%add3A_72, %dma_wait3A_119] : memref<20480x128xf32, #tpu.memory_space<hbm>> -> memref<64x128xf32, #tpu.memory_space<hbm>>
      tpu.wait_dma2 semaphore(%run_scoped3A : memref<!tpu.dma_semaphore, #tpu.memory_space<semaphore_mem>>) src(%arg8 : memref<64x128xf32, #tpu.memory_space<vmem>>) dst(%dma_wait3A_120 : memref<64x128xf32, #tpu.memory_space<hbm>>)
      tpu.yield
    }) : () -> ()
    %add3A_73 = arith.constant 256 : i32
    %add3A_74 = arith.addi %mul3A_44, %add3A_73 : i32
    "tpu.region"() ({
      %run_scoped3A = tpu.sem_alloc : memref<!tpu.dma_semaphore, #tpu.memory_space<semaphore_mem>>
      %dma_start3A = arith.constant 0 : i32
      %dma_start3A_115 = tpu.memref_slice %arg9[%add3A_74, %dma_start3A] : memref<10304x128xf32, #tpu.memory_space<vmem_shared>> -> memref<64x128xf32, #tpu.memory_space<vmem_shared>>
      %dma_start3A_116 = arith.constant 0 : i32
      %dma_start3A_117 = tpu.memref_slice %arg9[%add3A_74, %dma_start3A_116] : memref<10304x128xf32, #tpu.memory_space<vmem_shared>> -> memref<64x128xf32, #tpu.memory_space<vmem_shared>>
      tpu.enqueue_dma source(%dma_start3A_117 : memref<64x128xf32, #tpu.memory_space<vmem_shared>>) target(%arg8 : memref<64x128xf32, #tpu.memory_space<vmem>>) target_semaphore(%run_scoped3A : memref<!tpu.dma_semaphore, #tpu.memory_space<semaphore_mem>>)
      %dma_wait3A = arith.constant 0 : i32
      %dma_wait3A_118 = tpu.memref_slice %arg9[%add3A_74, %dma_wait3A] : memref<10304x128xf32, #tpu.memory_space<vmem_shared>> -> memref<64x128xf32, #tpu.memory_space<vmem_shared>>
      %dma_wait3A_119 = arith.constant 0 : i32
      %dma_wait3A_120 = tpu.memref_slice %arg9[%add3A_74, %dma_wait3A_119] : memref<10304x128xf32, #tpu.memory_space<vmem_shared>> -> memref<64x128xf32, #tpu.memory_space<vmem_shared>>
      tpu.wait_dma2 semaphore(%run_scoped3A : memref<!tpu.dma_semaphore, #tpu.memory_space<semaphore_mem>>) src(%dma_wait3A_120 : memref<64x128xf32, #tpu.memory_space<vmem_shared>>) dst(%arg8 : memref<64x128xf32, #tpu.memory_space<vmem>>)
      tpu.yield
    }) : () -> ()
    %mul3A_75 = arith.constant 10240 : i32
    %mul3A_76 = arith.muli %arg0, %mul3A_75 : i32
    %add3A_77 = arith.addi %mul3A_76, %mul3A_44 : i32
    %add3A_78 = arith.constant 256 : i32
    %add3A_79 = arith.addi %add3A_77, %add3A_78 : i32
    "tpu.region"() ({
      %run_scoped3A = tpu.sem_alloc : memref<!tpu.dma_semaphore, #tpu.memory_space<semaphore_mem>>
      %dma_start3A = arith.constant 0 : i32
      %dma_start3A_115 = tpu.memref_slice %arg3[%add3A_79, %dma_start3A] : memref<20480x128xf32, #tpu.memory_space<hbm>> -> memref<64x128xf32, #tpu.memory_space<hbm>>
      %dma_start3A_116 = arith.constant 0 : i32
      %dma_start3A_117 = tpu.memref_slice %arg3[%add3A_79, %dma_start3A_116] : memref<20480x128xf32, #tpu.memory_space<hbm>> -> memref<64x128xf32, #tpu.memory_space<hbm>>
      tpu.enqueue_dma source(%arg8 : memref<64x128xf32, #tpu.memory_space<vmem>>) target(%dma_start3A_117 : memref<64x128xf32, #tpu.memory_space<hbm>>) target_semaphore(%run_scoped3A : memref<!tpu.dma_semaphore, #tpu.memory_space<semaphore_mem>>)
      %dma_wait3A = arith.constant 0 : i32
      %dma_wait3A_118 = tpu.memref_slice %arg3[%add3A_79, %dma_wait3A] : memref<20480x128xf32, #tpu.memory_space<hbm>> -> memref<64x128xf32, #tpu.memory_space<hbm>>
      %dma_wait3A_119 = arith.constant 0 : i32
      %dma_wait3A_120 = tpu.memref_slice %arg3[%add3A_79, %dma_wait3A_119] : memref<20480x128xf32, #tpu.memory_space<hbm>> -> memref<64x128xf32, #tpu.memory_space<hbm>>
      tpu.wait_dma2 semaphore(%run_scoped3A : memref<!tpu.dma_semaphore, #tpu.memory_space<semaphore_mem>>) src(%arg8 : memref<64x128xf32, #tpu.memory_space<vmem>>) dst(%dma_wait3A_120 : memref<64x128xf32, #tpu.memory_space<hbm>>)
      tpu.yield
    }) : () -> ()
    %add3A_80 = arith.constant 320 : i32
    %add3A_81 = arith.addi %mul3A_44, %add3A_80 : i32
    "tpu.region"() ({
      %run_scoped3A = tpu.sem_alloc : memref<!tpu.dma_semaphore, #tpu.memory_space<semaphore_mem>>
      %dma_start3A = arith.constant 0 : i32
      %dma_start3A_115 = tpu.memref_slice %arg9[%add3A_81, %dma_start3A] : memref<10304x128xf32, #tpu.memory_space<vmem_shared>> -> memref<64x128xf32, #tpu.memory_space<vmem_shared>>
      %dma_start3A_116 = arith.constant 0 : i32
      %dma_start3A_117 = tpu.memref_slice %arg9[%add3A_81, %dma_start3A_116] : memref<10304x128xf32, #tpu.memory_space<vmem_shared>> -> memref<64x128xf32, #tpu.memory_space<vmem_shared>>
      tpu.enqueue_dma source(%dma_start3A_117 : memref<64x128xf32, #tpu.memory_space<vmem_shared>>) target(%arg8 : memref<64x128xf32, #tpu.memory_space<vmem>>) target_semaphore(%run_scoped3A : memref<!tpu.dma_semaphore, #tpu.memory_space<semaphore_mem>>)
      %dma_wait3A = arith.constant 0 : i32
      %dma_wait3A_118 = tpu.memref_slice %arg9[%add3A_81, %dma_wait3A] : memref<10304x128xf32, #tpu.memory_space<vmem_shared>> -> memref<64x128xf32, #tpu.memory_space<vmem_shared>>
      %dma_wait3A_119 = arith.constant 0 : i32
      %dma_wait3A_120 = tpu.memref_slice %arg9[%add3A_81, %dma_wait3A_119] : memref<10304x128xf32, #tpu.memory_space<vmem_shared>> -> memref<64x128xf32, #tpu.memory_space<vmem_shared>>
      tpu.wait_dma2 semaphore(%run_scoped3A : memref<!tpu.dma_semaphore, #tpu.memory_space<semaphore_mem>>) src(%dma_wait3A_120 : memref<64x128xf32, #tpu.memory_space<vmem_shared>>) dst(%arg8 : memref<64x128xf32, #tpu.memory_space<vmem>>)
      tpu.yield
    }) : () -> ()
    %mul3A_82 = arith.constant 10240 : i32
    %mul3A_83 = arith.muli %arg0, %mul3A_82 : i32
    %add3A_84 = arith.addi %mul3A_83, %mul3A_44 : i32
    %add3A_85 = arith.constant 320 : i32
    %add3A_86 = arith.addi %add3A_84, %add3A_85 : i32
    "tpu.region"() ({
      %run_scoped3A = tpu.sem_alloc : memref<!tpu.dma_semaphore, #tpu.memory_space<semaphore_mem>>
      %dma_start3A = arith.constant 0 : i32
      %dma_start3A_115 = tpu.memref_slice %arg3[%add3A_86, %dma_start3A] : memref<20480x128xf32, #tpu.memory_space<hbm>> -> memref<64x128xf32, #tpu.memory_space<hbm>>
      %dma_start3A_116 = arith.constant 0 : i32
      %dma_start3A_117 = tpu.memref_slice %arg3[%add3A_86, %dma_start3A_116] : memref<20480x128xf32, #tpu.memory_space<hbm>> -> memref<64x128xf32, #tpu.memory_space<hbm>>
      tpu.enqueue_dma source(%arg8 : memref<64x128xf32, #tpu.memory_space<vmem>>) target(%dma_start3A_117 : memref<64x128xf32, #tpu.memory_space<hbm>>) target_semaphore(%run_scoped3A : memref<!tpu.dma_semaphore, #tpu.memory_space<semaphore_mem>>)
      %dma_wait3A = arith.constant 0 : i32
      %dma_wait3A_118 = tpu.memref_slice %arg3[%add3A_86, %dma_wait3A] : memref<20480x128xf32, #tpu.memory_space<hbm>> -> memref<64x128xf32, #tpu.memory_space<hbm>>
      %dma_wait3A_119 = arith.constant 0 : i32
      %dma_wait3A_120 = tpu.memref_slice %arg3[%add3A_86, %dma_wait3A_119] : memref<20480x128xf32, #tpu.memory_space<hbm>> -> memref<64x128xf32, #tpu.memory_space<hbm>>
      tpu.wait_dma2 semaphore(%run_scoped3A : memref<!tpu.dma_semaphore, #tpu.memory_space<semaphore_mem>>) src(%arg8 : memref<64x128xf32, #tpu.memory_space<vmem>>) dst(%dma_wait3A_120 : memref<64x128xf32, #tpu.memory_space<hbm>>)
      tpu.yield
    }) : () -> ()
    %add3A_87 = arith.constant 384 : i32
    %add3A_88 = arith.addi %mul3A_44, %add3A_87 : i32
    "tpu.region"() ({
      %run_scoped3A = tpu.sem_alloc : memref<!tpu.dma_semaphore, #tpu.memory_space<semaphore_mem>>
      %dma_start3A = arith.constant 0 : i32
      %dma_start3A_115 = tpu.memref_slice %arg9[%add3A_88, %dma_start3A] : memref<10304x128xf32, #tpu.memory_space<vmem_shared>> -> memref<64x128xf32, #tpu.memory_space<vmem_shared>>
      %dma_start3A_116 = arith.constant 0 : i32
      %dma_start3A_117 = tpu.memref_slice %arg9[%add3A_88, %dma_start3A_116] : memref<10304x128xf32, #tpu.memory_space<vmem_shared>> -> memref<64x128xf32, #tpu.memory_space<vmem_shared>>
      tpu.enqueue_dma source(%dma_start3A_117 : memref<64x128xf32, #tpu.memory_space<vmem_shared>>) target(%arg8 : memref<64x128xf32, #tpu.memory_space<vmem>>) target_semaphore(%run_scoped3A : memref<!tpu.dma_semaphore, #tpu.memory_space<semaphore_mem>>)
      %dma_wait3A = arith.constant 0 : i32
      %dma_wait3A_118 = tpu.memref_slice %arg9[%add3A_88, %dma_wait3A] : memref<10304x128xf32, #tpu.memory_space<vmem_shared>> -> memref<64x128xf32, #tpu.memory_space<vmem_shared>>
      %dma_wait3A_119 = arith.constant 0 : i32
      %dma_wait3A_120 = tpu.memref_slice %arg9[%add3A_88, %dma_wait3A_119] : memref<10304x128xf32, #tpu.memory_space<vmem_shared>> -> memref<64x128xf32, #tpu.memory_space<vmem_shared>>
      tpu.wait_dma2 semaphore(%run_scoped3A : memref<!tpu.dma_semaphore, #tpu.memory_space<semaphore_mem>>) src(%dma_wait3A_120 : memref<64x128xf32, #tpu.memory_space<vmem_shared>>) dst(%arg8 : memref<64x128xf32, #tpu.memory_space<vmem>>)
      tpu.yield
    }) : () -> ()
    %mul3A_89 = arith.constant 10240 : i32
    %mul3A_90 = arith.muli %arg0, %mul3A_89 : i32
    %add3A_91 = arith.addi %mul3A_90, %mul3A_44 : i32
    %add3A_92 = arith.constant 384 : i32
    %add3A_93 = arith.addi %add3A_91, %add3A_92 : i32
    "tpu.region"() ({
      %run_scoped3A = tpu.sem_alloc : memref<!tpu.dma_semaphore, #tpu.memory_space<semaphore_mem>>
      %dma_start3A = arith.constant 0 : i32
      %dma_start3A_115 = tpu.memref_slice %arg3[%add3A_93, %dma_start3A] : memref<20480x128xf32, #tpu.memory_space<hbm>> -> memref<64x128xf32, #tpu.memory_space<hbm>>
      %dma_start3A_116 = arith.constant 0 : i32
      %dma_start3A_117 = tpu.memref_slice %arg3[%add3A_93, %dma_start3A_116] : memref<20480x128xf32, #tpu.memory_space<hbm>> -> memref<64x128xf32, #tpu.memory_space<hbm>>
      tpu.enqueue_dma source(%arg8 : memref<64x128xf32, #tpu.memory_space<vmem>>) target(%dma_start3A_117 : memref<64x128xf32, #tpu.memory_space<hbm>>) target_semaphore(%run_scoped3A : memref<!tpu.dma_semaphore, #tpu.memory_space<semaphore_mem>>)
      %dma_wait3A = arith.constant 0 : i32
      %dma_wait3A_118 = tpu.memref_slice %arg3[%add3A_93, %dma_wait3A] : memref<20480x128xf32, #tpu.memory_space<hbm>> -> memref<64x128xf32, #tpu.memory_space<hbm>>
      %dma_wait3A_119 = arith.constant 0 : i32
      %dma_wait3A_120 = tpu.memref_slice %arg3[%add3A_93, %dma_wait3A_119] : memref<20480x128xf32, #tpu.memory_space<hbm>> -> memref<64x128xf32, #tpu.memory_space<hbm>>
      tpu.wait_dma2 semaphore(%run_scoped3A : memref<!tpu.dma_semaphore, #tpu.memory_space<semaphore_mem>>) src(%arg8 : memref<64x128xf32, #tpu.memory_space<vmem>>) dst(%dma_wait3A_120 : memref<64x128xf32, #tpu.memory_space<hbm>>)
      tpu.yield
    }) : () -> ()
    %add3A_94 = arith.constant 448 : i32
    %add3A_95 = arith.addi %mul3A_44, %add3A_94 : i32
    "tpu.region"() ({
      %run_scoped3A = tpu.sem_alloc : memref<!tpu.dma_semaphore, #tpu.memory_space<semaphore_mem>>
      %dma_start3A = arith.constant 0 : i32
      %dma_start3A_115 = tpu.memref_slice %arg9[%add3A_95, %dma_start3A] : memref<10304x128xf32, #tpu.memory_space<vmem_shared>> -> memref<64x128xf32, #tpu.memory_space<vmem_shared>>
      %dma_start3A_116 = arith.constant 0 : i32
      %dma_start3A_117 = tpu.memref_slice %arg9[%add3A_95, %dma_start3A_116] : memref<10304x128xf32, #tpu.memory_space<vmem_shared>> -> memref<64x128xf32, #tpu.memory_space<vmem_shared>>
      tpu.enqueue_dma source(%dma_start3A_117 : memref<64x128xf32, #tpu.memory_space<vmem_shared>>) target(%arg8 : memref<64x128xf32, #tpu.memory_space<vmem>>) target_semaphore(%run_scoped3A : memref<!tpu.dma_semaphore, #tpu.memory_space<semaphore_mem>>)
      %dma_wait3A = arith.constant 0 : i32
      %dma_wait3A_118 = tpu.memref_slice %arg9[%add3A_95, %dma_wait3A] : memref<10304x128xf32, #tpu.memory_space<vmem_shared>> -> memref<64x128xf32, #tpu.memory_space<vmem_shared>>
      %dma_wait3A_119 = arith.constant 0 : i32
      %dma_wait3A_120 = tpu.memref_slice %arg9[%add3A_95, %dma_wait3A_119] : memref<10304x128xf32, #tpu.memory_space<vmem_shared>> -> memref<64x128xf32, #tpu.memory_space<vmem_shared>>
      tpu.wait_dma2 semaphore(%run_scoped3A : memref<!tpu.dma_semaphore, #tpu.memory_space<semaphore_mem>>) src(%dma_wait3A_120 : memref<64x128xf32, #tpu.memory_space<vmem_shared>>) dst(%arg8 : memref<64x128xf32, #tpu.memory_space<vmem>>)
      tpu.yield
    }) : () -> ()
    %mul3A_96 = arith.constant 10240 : i32
    %mul3A_97 = arith.muli %arg0, %mul3A_96 : i32
    %add3A_98 = arith.addi %mul3A_97, %mul3A_44 : i32
    %add3A_99 = arith.constant 448 : i32
    %add3A_100 = arith.addi %add3A_98, %add3A_99 : i32
    "tpu.region"() ({
      %run_scoped3A = tpu.sem_alloc : memref<!tpu.dma_semaphore, #tpu.memory_space<semaphore_mem>>
      %dma_start3A = arith.constant 0 : i32
      %dma_start3A_115 = tpu.memref_slice %arg3[%add3A_100, %dma_start3A] : memref<20480x128xf32, #tpu.memory_space<hbm>> -> memref<64x128xf32, #tpu.memory_space<hbm>>
      %dma_start3A_116 = arith.constant 0 : i32
      %dma_start3A_117 = tpu.memref_slice %arg3[%add3A_100, %dma_start3A_116] : memref<20480x128xf32, #tpu.memory_space<hbm>> -> memref<64x128xf32, #tpu.memory_space<hbm>>
      tpu.enqueue_dma source(%arg8 : memref<64x128xf32, #tpu.memory_space<vmem>>) target(%dma_start3A_117 : memref<64x128xf32, #tpu.memory_space<hbm>>) target_semaphore(%run_scoped3A : memref<!tpu.dma_semaphore, #tpu.memory_space<semaphore_mem>>)
      %dma_wait3A = arith.constant 0 : i32
      %dma_wait3A_118 = tpu.memref_slice %arg3[%add3A_100, %dma_wait3A] : memref<20480x128xf32, #tpu.memory_space<hbm>> -> memref<64x128xf32, #tpu.memory_space<hbm>>
      %dma_wait3A_119 = arith.constant 0 : i32
      %dma_wait3A_120 = tpu.memref_slice %arg3[%add3A_100, %dma_wait3A_119] : memref<20480x128xf32, #tpu.memory_space<hbm>> -> memref<64x128xf32, #tpu.memory_space<hbm>>
      tpu.wait_dma2 semaphore(%run_scoped3A : memref<!tpu.dma_semaphore, #tpu.memory_space<semaphore_mem>>) src(%arg8 : memref<64x128xf32, #tpu.memory_space<vmem>>) dst(%dma_wait3A_120 : memref<64x128xf32, #tpu.memory_space<hbm>>)
      tpu.yield
    }) : () -> ()
    %add3A_101 = arith.constant 512 : i32
    %add3A_102 = arith.addi %mul3A_44, %add3A_101 : i32
    "tpu.region"() ({
      %run_scoped3A = tpu.sem_alloc : memref<!tpu.dma_semaphore, #tpu.memory_space<semaphore_mem>>
      %dma_start3A = arith.constant 0 : i32
      %dma_start3A_115 = tpu.memref_slice %arg9[%add3A_102, %dma_start3A] : memref<10304x128xf32, #tpu.memory_space<vmem_shared>> -> memref<64x128xf32, #tpu.memory_space<vmem_shared>>
      %dma_start3A_116 = arith.constant 0 : i32
      %dma_start3A_117 = tpu.memref_slice %arg9[%add3A_102, %dma_start3A_116] : memref<10304x128xf32, #tpu.memory_space<vmem_shared>> -> memref<64x128xf32, #tpu.memory_space<vmem_shared>>
      tpu.enqueue_dma source(%dma_start3A_117 : memref<64x128xf32, #tpu.memory_space<vmem_shared>>) target(%arg8 : memref<64x128xf32, #tpu.memory_space<vmem>>) target_semaphore(%run_scoped3A : memref<!tpu.dma_semaphore, #tpu.memory_space<semaphore_mem>>)
      %dma_wait3A = arith.constant 0 : i32
      %dma_wait3A_118 = tpu.memref_slice %arg9[%add3A_102, %dma_wait3A] : memref<10304x128xf32, #tpu.memory_space<vmem_shared>> -> memref<64x128xf32, #tpu.memory_space<vmem_shared>>
      %dma_wait3A_119 = arith.constant 0 : i32
      %dma_wait3A_120 = tpu.memref_slice %arg9[%add3A_102, %dma_wait3A_119] : memref<10304x128xf32, #tpu.memory_space<vmem_shared>> -> memref<64x128xf32, #tpu.memory_space<vmem_shared>>
      tpu.wait_dma2 semaphore(%run_scoped3A : memref<!tpu.dma_semaphore, #tpu.memory_space<semaphore_mem>>) src(%dma_wait3A_120 : memref<64x128xf32, #tpu.memory_space<vmem_shared>>) dst(%arg8 : memref<64x128xf32, #tpu.memory_space<vmem>>)
      tpu.yield
    }) : () -> ()
    %mul3A_103 = arith.constant 10240 : i32
    %mul3A_104 = arith.muli %arg0, %mul3A_103 : i32
    %add3A_105 = arith.addi %mul3A_104, %mul3A_44 : i32
    %add3A_106 = arith.constant 512 : i32
    %add3A_107 = arith.addi %add3A_105, %add3A_106 : i32
    "tpu.region"() ({
      %run_scoped3A = tpu.sem_alloc : memref<!tpu.dma_semaphore, #tpu.memory_space<semaphore_mem>>
      %dma_start3A = arith.constant 0 : i32
      %dma_start3A_115 = tpu.memref_slice %arg3[%add3A_107, %dma_start3A] : memref<20480x128xf32, #tpu.memory_space<hbm>> -> memref<64x128xf32, #tpu.memory_space<hbm>>
      %dma_start3A_116 = arith.constant 0 : i32
      %dma_start3A_117 = tpu.memref_slice %arg3[%add3A_107, %dma_start3A_116] : memref<20480x128xf32, #tpu.memory_space<hbm>> -> memref<64x128xf32, #tpu.memory_space<hbm>>
      tpu.enqueue_dma source(%arg8 : memref<64x128xf32, #tpu.memory_space<vmem>>) target(%dma_start3A_117 : memref<64x128xf32, #tpu.memory_space<hbm>>) target_semaphore(%run_scoped3A : memref<!tpu.dma_semaphore, #tpu.memory_space<semaphore_mem>>)
      %dma_wait3A = arith.constant 0 : i32
      %dma_wait3A_118 = tpu.memref_slice %arg3[%add3A_107, %dma_wait3A] : memref<20480x128xf32, #tpu.memory_space<hbm>> -> memref<64x128xf32, #tpu.memory_space<hbm>>
      %dma_wait3A_119 = arith.constant 0 : i32
      %dma_wait3A_120 = tpu.memref_slice %arg3[%add3A_107, %dma_wait3A_119] : memref<20480x128xf32, #tpu.memory_space<hbm>> -> memref<64x128xf32, #tpu.memory_space<hbm>>
      tpu.wait_dma2 semaphore(%run_scoped3A : memref<!tpu.dma_semaphore, #tpu.memory_space<semaphore_mem>>) src(%arg8 : memref<64x128xf32, #tpu.memory_space<vmem>>) dst(%dma_wait3A_120 : memref<64x128xf32, #tpu.memory_space<hbm>>)
      tpu.yield
    }) : () -> ()
    %add3A_108 = arith.constant 576 : i32
    %add3A_109 = arith.addi %mul3A_44, %add3A_108 : i32
    "tpu.region"() ({
      %run_scoped3A = tpu.sem_alloc : memref<!tpu.dma_semaphore, #tpu.memory_space<semaphore_mem>>
      %dma_start3A = arith.constant 0 : i32
      %dma_start3A_115 = tpu.memref_slice %arg9[%add3A_109, %dma_start3A] : memref<10304x128xf32, #tpu.memory_space<vmem_shared>> -> memref<64x128xf32, #tpu.memory_space<vmem_shared>>
      %dma_start3A_116 = arith.constant 0 : i32
      %dma_start3A_117 = tpu.memref_slice %arg9[%add3A_109, %dma_start3A_116] : memref<10304x128xf32, #tpu.memory_space<vmem_shared>> -> memref<64x128xf32, #tpu.memory_space<vmem_shared>>
      tpu.enqueue_dma source(%dma_start3A_117 : memref<64x128xf32, #tpu.memory_space<vmem_shared>>) target(%arg8 : memref<64x128xf32, #tpu.memory_space<vmem>>) target_semaphore(%run_scoped3A : memref<!tpu.dma_semaphore, #tpu.memory_space<semaphore_mem>>)
      %dma_wait3A = arith.constant 0 : i32
      %dma_wait3A_118 = tpu.memref_slice %arg9[%add3A_109, %dma_wait3A] : memref<10304x128xf32, #tpu.memory_space<vmem_shared>> -> memref<64x128xf32, #tpu.memory_space<vmem_shared>>
      %dma_wait3A_119 = arith.constant 0 : i32
      %dma_wait3A_120 = tpu.memref_slice %arg9[%add3A_109, %dma_wait3A_119] : memref<10304x128xf32, #tpu.memory_space<vmem_shared>> -> memref<64x128xf32, #tpu.memory_space<vmem_shared>>
      tpu.wait_dma2 semaphore(%run_scoped3A : memref<!tpu.dma_semaphore, #tpu.memory_space<semaphore_mem>>) src(%dma_wait3A_120 : memref<64x128xf32, #tpu.memory_space<vmem_shared>>) dst(%arg8 : memref<64x128xf32, #tpu.memory_space<vmem>>)
      tpu.yield
    }) : () -> ()
    %mul3A_110 = arith.constant 10240 : i32
    %mul3A_111 = arith.muli %arg0, %mul3A_110 : i32
    %add3A_112 = arith.addi %mul3A_111, %mul3A_44 : i32
    %add3A_113 = arith.constant 576 : i32
    %add3A_114 = arith.addi %add3A_112, %add3A_113 : i32
    "tpu.region"() ({
      %run_scoped3A = tpu.sem_alloc : memref<!tpu.dma_semaphore, #tpu.memory_space<semaphore_mem>>
      %dma_start3A = arith.constant 0 : i32
      %dma_start3A_115 = tpu.memref_slice %arg3[%add3A_114, %dma_start3A] : memref<20480x128xf32, #tpu.memory_space<hbm>> -> memref<64x128xf32, #tpu.memory_space<hbm>>
      %dma_start3A_116 = arith.constant 0 : i32
      %dma_start3A_117 = tpu.memref_slice %arg3[%add3A_114, %dma_start3A_116] : memref<20480x128xf32, #tpu.memory_space<hbm>> -> memref<64x128xf32, #tpu.memory_space<hbm>>
      tpu.enqueue_dma source(%arg8 : memref<64x128xf32, #tpu.memory_space<vmem>>) target(%dma_start3A_117 : memref<64x128xf32, #tpu.memory_space<hbm>>) target_semaphore(%run_scoped3A : memref<!tpu.dma_semaphore, #tpu.memory_space<semaphore_mem>>)
      %dma_wait3A = arith.constant 0 : i32
      %dma_wait3A_118 = tpu.memref_slice %arg3[%add3A_114, %dma_wait3A] : memref<20480x128xf32, #tpu.memory_space<hbm>> -> memref<64x128xf32, #tpu.memory_space<hbm>>
      %dma_wait3A_119 = arith.constant 0 : i32
      %dma_wait3A_120 = tpu.memref_slice %arg3[%add3A_114, %dma_wait3A_119] : memref<20480x128xf32, #tpu.memory_space<hbm>> -> memref<64x128xf32, #tpu.memory_space<hbm>>
      tpu.wait_dma2 semaphore(%run_scoped3A : memref<!tpu.dma_semaphore, #tpu.memory_space<semaphore_mem>>) src(%arg8 : memref<64x128xf32, #tpu.memory_space<vmem>>) dst(%dma_wait3A_120 : memref<64x128xf32, #tpu.memory_space<hbm>>)
      tpu.yield
    }) : () -> ()
    return
  }
}

</mosaic_0001>

<sc_bundles>
// kernel: _prep.3.cloned.1.call-start
scs
__scs_entry_jumppad:
0x0: {  	(pc) =	sbr.rel $0x88, $3  }
0x1: {  	(tag) =	ssettag $0x0;
	lr =	simm.s32 $0x1  }
0x2: {  	[smem:$0x3FA0] =	sst lr;
	_ =	strace $0xD0000000  }
0x3: {  	_ = 	snop  }
0x4: {  	_ = 	snop  }
0x5: {  	_ = 	snop  }
0x6: {  	_ = 	snop  }
0x7: {  	_ = 	snop  }
__scs_overlays_trampoline_lowered:
0x8: {  	[smem:$0x3FAF] =	sst s0  }
0x9: {  	[smem:$0x3FB0] =	sst s1  }
0xa: {  	[smem:$0x3FB1] =	sst s2  }
0xb: {  	[smem:$0x3FB2] =	sst s3  }
0xc: {  	[smem:$0x3FB3] =	sst s4  }
0xd: {  	[smem:$0x3FB4] =	sst s5  }
0xe: {  	[smem:$0x3FB5] =	sst s6  }
0xf: {  	[smem:$0x3FB6] =	sst s7  }
0x10: {  	[smem:$0x3FB7] =	sst s8  }
0x11: {  	[smem:$0x3FB8] =	sst s9;
	s0 =	simm.s32 @!p0 $0x0  }
0x12: {  	s1 =	sld [smem:$0x3F9E];
	s0 =	simm.s32 @p0 $0x1  }
0x13: {  	[smem:$0x3FB9] =	sst s0;
	s0 =	simm.s32 @!p1 $0x0  }
0x14: {  	s2 =	sld [smem:$0x3F9D];
	s0 =	simm.s32 @p1 $0x1  }
0x15: {  	[smem:$0x3FBA] =	sst s0;
	s0 =	simm.s32 @!p2 $0x0  }
0x16: {  	s3 =	sld [smem:$0x3FDB];
	s0 =	simm.s32 @p2 $0x1  }
0x17: {  	s4 =	simm.s32 $0x1BF5;
	[smem:$0x3FBC] =	sst s0  }
0x18: {  	s0 =	sld [smem:$0x3F9F];
	_ =	swait.ge [sflag:s4], $0x0  }
0x19: {  	s7 =	sld [smem:$0x3FA0]  }
0x1a: {  	s8 =	sadd.s32 $0xFFFFE003, lr  }
0x1b: {  	s9 =	sadd.s32 $0xFFFFFEF7, lr;
	s5 =	simm.s32 $0xFFFFFFFF;
	p2 =	slt.u32 s8, $0xFFFFF086  }
0x1c: {  	p1 =	slt.u32 s9, $0xF7A;
	s5 =	simm.s32 @!p2 $0x0  }
0x1d: {  	s5 =	simm.s32 @p1 $0x1;
	p0 =	seq.s32 s7, s2  }
0x1e: {  	s7 =	smul.u32 @!p0 $0xF7A, s2;
	p2 =	seq.s32 @!p0 s5, $0x0  }
0x1f: {  	s9 =	smul.u32 $0xF7A, s1;
	s8 =	simm.s32 @!p0 $0x1BF5;
	p2 =	por !p2, p0  }
0x20: {  	[sflag:s8] =	ssyncset.s32 @!p0 $0xFFFFF086;
	s6 =	sadd.s32 @!p0 s3, s7;
	s7 =	simm.s32 @!p0 $0x108  }
0x21: {  	s3 =	sadd.s32 s3, s9;
	s6 =	sadd.s32 @!p0 $0x88, s6;
	s7 =	simm.s32 @p2 $0x1082  }
0x22: {  	[simem:s7], [sflag:s8] =	dma.local @!p0 [hbm:s6], $0xF7A  }
0x23: {  	s9 =	sor.u32 $0xD0000000, s2;
	s6 =	simm.s32 $0x108;
	_ =	swait.ge @!p0 [sflag:s8], $0x0  }
0x24: {  	s3 =	sadd.s32 $0x88, s3;
	s6 =	simm.s32 @!p1 $0x1082;
	[sflag:s4] =	ssyncset.s32 $0xFFFFF086  }
0x25: {  	[simem:s6], [sflag:s4] =	dma.local [hbm:s3], $0xF7A  }
0x26: {  	[smem:$0x3FA0] =	sst s1;
	(tag) =	ssettag s2;
	_ =	strace s9  }
0x27: {  	s1 =	sld [smem:$0x3FB0]  }
0x28: {  	s2 =	sld [smem:$0x3FB1]  }
0x29: {  	s4 =	sld [smem:$0x3FB3]  }
0x2a: {  	p0 =	seq.s32 s5, $0x0;
	s5 =	sld [smem:$0x3FB4]  }
0x2b: {  	s6 =	sld [smem:$0x3FB5]  }
0x2c: {  	s7 =	sld [smem:$0x3FB6]  }
0x2d: {  	s3 =	simm.s32 $0x108;
	s8 =	sld [smem:$0x3FB7]  }
0x2e: {  	s3 =	simm.s32 @!p0 $0x1082;
	s9 =	sld [smem:$0x3FB8]  }
0x2f: {  	lr =	sadd.s32 s0, s3;
	s0 =	sld [smem:$0x3FAF]  }
0x30: {  	s3 =	sld [smem:$0x3FB2]  }
0x31: {  	[smem:$0x3FBB] =	sst s10  }
0x32: {  	s10 =	sld [smem:$0x3FB9];
	_ =	sdelay $0x3  }
0x33: {  	p0 =	seq.s32 s10, $0x1;
	s10 =	sld [smem:$0x3FBB];
	_ =	sdelay $0x3  }
0x34: {  	[smem:$0x3FBB] =	sst s10  }
0x35: {  	s10 =	sld [smem:$0x3FBA];
	_ =	sdelay $0x3  }
0x36: {  	p1 =	seq.s32 s10, $0x1;
	s10 =	sld [smem:$0x3FBB];
	_ =	sdelay $0x3  }
0x37: {  	[smem:$0x3FBB] =	sst s10  }
0x38: {  	s10 =	sld [smem:$0x3FBC]  }
0x39: {  	_ = 	snop;
	(pc) =	sbr.ind lr, $3  }
0x3a: {  	_ = 	snop  }
0x3b: {  	_ = 	snop  }
0x3c: {  	p2 =	seq.s32 s10, $0x1;
	s10 =	sld [smem:$0x3FBB]  }
0x3d: {  	_ =	shalt  }
0x3e: {  	_ =	shalt  }
0x3f: {  	_ =	shalt  }
0x40: {  	_ =	shalt  }
0x41: {  	_ =	shalt  }
0x42: {  	_ =	shalt  }
0x43: {  	_ =	shalt  }
0x44: {  	_ =	shalt  }
0x45: {  	_ =	shalt  }
0x46: {  	_ =	shalt  }
0x47: {  	_ =	shalt  }
0x48: {  	_ =	shalt  }
0x49: {  	_ =	shalt  }
0x4a: {  	_ =	shalt  }
0x4b: {  	_ =	shalt  }
0x4c: {  	_ =	shalt  }
0x4d: {  	_ =	shalt  }
0x4e: {  	_ =	shalt  }
0x4f: {  	_ =	shalt  }
0x50: {  	_ =	shalt  }
0x51: {  	_ =	shalt  }
0x52: {  	_ =	shalt  }
0x53: {  	_ =	shalt  }
0x54: {  	_ =	shalt  }
0x55: {  	_ =	shalt  }
0x56: {  	_ =	shalt  }
0x57: {  	_ =	shalt  }
0x58: {  	_ =	shalt  }
0x59: {  	_ =	shalt  }
0x5a: {  	_ =	shalt  }
0x5b: {  	_ =	shalt  }
0x5c: {  	_ =	shalt  }
0x5d: {  	_ =	shalt  }
0x5e: {  	_ =	shalt  }
0x5f: {  	_ =	shalt  }
0x60: {  	_ =	shalt  }
0x61: {  	_ =	shalt  }
0x62: {  	_ =	shalt  }
0x63: {  	_ =	shalt  }
0x64: {  	_ =	shalt  }
0x65: {  	_ =	shalt  }
0x66: {  	_ =	shalt  }
0x67: {  	_ =	shalt  }
0x68: {  	_ =	shalt  }
0x69: {  	_ =	shalt  }
0x6a: {  	_ =	shalt  }
0x6b: {  	_ =	shalt  }
0x6c: {  	_ =	shalt  }
0x6d: {  	_ =	shalt  }
0x6e: {  	_ =	shalt  }
0x6f: {  	_ =	shalt  }
0x70: {  	_ =	shalt  }
0x71: {  	_ =	shalt  }
0x72: {  	_ =	shalt  }
0x73: {  	_ =	shalt  }
0x74: {  	_ =	shalt  }
0x75: {  	_ =	shalt  }
0x76: {  	_ =	shalt  }
0x77: {  	_ =	shalt  }
0x78: {  	_ =	shalt  }
0x79: {  	_ =	shalt  }
0x7a: {  	_ =	shalt  }
0x7b: {  	_ =	shalt  }
0x7c: {  	_ =	shalt  }
0x7d: {  	_ =	shalt  }
0x7e: {  	_ =	shalt  }
0x7f: {  	_ =	shalt  }
0x80: {  	_ =	shalt  }
0x81: {  	_ =	shalt  }
0x82: {  	_ =	shalt  }
0x83: {  	_ =	shalt  }
0x84: {  	_ =	shalt  }
0x85: {  	_ =	shalt  }
0x86: {  	_ =	shalt  }
0x87: {  	_ =	shalt  }
.Lfunc_end0:
.L_simem_size_0:
called_computation_lowered:
.L_overlay_start_0:
0x88: {  	s2 =	sld [smem:$0x3FD9]  }
0x89: {  	s3 =	sld [smem:$0x3FFE];
	_ =	sdelay $0x1  }
0x8a: {  	s1 =	srdreg.scid  }
0x8b: {  	s0 =	sand.u32 $0x1, s1  }
0x8c: {  	s18 =	sshll.u32 s0, $0xA;
	s2 =	sadd.s32 s3, s2  }
0x8d: {  	s2 =	sadd.s32 s2, s18  }
0x8e: {  	[smem:$0x3FC7] =	sst s2  }
0x8f: {  	_ = 	snop  }
0x90: {  	s2 =	sld [smem:$0x3FC9]  }
0x91: {  	s19 =	sld [smem:$0x3FD0];
	(tm) =	ssettm $0x1  }
0x92: {  	s4 =	sld [smem:$0x3FFB];
	_ =	sdelay $0x3  }
0x93: {  	_ =	strace s4  }
0x94: {  	s4 =	sld [smem:$0x3FFC];
	_ =	sdelay $0x3  }
0x95: {  	_ =	strace s4  }
0x96: {  	s4 =	sld [smem:$0x3FFD];
	_ =	sdelay $0x3  }
0x97: {  	_ =	strace s4  }
0x98: {  	_ =	strace $0x8FFFFFFF  }
0x99: {  	s20 =	sld [smem:$0x3FDB];
	_ =	sdelay $0x1  }
0x9a: {  	s5 =	simm.s32 $_scs_section_size  }
0x9b: {  	s6 =	simm.s32 $_size__tile_overlayer_lowered;
	s7 =	simm.s32 $_tile_overlayer_lowered  }
0x9c: {  	s23 =	simm.s32 $0x1BFF;
	s22 =	sshll.u32 s7, $0x1;
	s4 =	sadd.s32 s5, s20  }
0x9d: {  	s8 =	simm.s32 $0x0;
	s21 =	sshll.u32 s6, $0x1;
	s6 =	sadd.s32 s22, s4  }
0x9e: {  	[timem:s8], [sflag:s23] =	dma.local [hbm:s6], s21  }
0x9f: {  	_ =	swait.ge [sflag:s23], s21  }
0xa0: {  	s5 =	ssub.s32 $0x0, s21;
	[sflag:s23] =	ssyncset.done $0x0  }
0xa1: {  	[sflag:s23] =	ssyncadd.s32 s5;
	_ =	sdelay $0x1  }
0xa2: {  	s24 =	simm.s32 $0x1B8B  }
0xa3: {  	_ =	swait.ge [sflag:s24], $0x1  }
0xa4: {  	[sflag:s24] =	ssyncset.done $0x0  }
0xa5: {  	s25 =	simm.s32 $0x1B8E;
	[sflag:s24] =	ssyncadd.s32 $0xFFFFFFFF  }
0xa6: {  	s26 =	simm.s32 $execute0_lowered;
	[smem:$0x3FD2] =	sst s25  }
0xa7: {  	s5 =	sshll.u32 s26, $0x1;
	_ =	strace $0x80000046;
	[dreg:$0x1] =	wrdreg $0xFFFFFFFF  }
0xa8: {  	s28 =	simm.s32 $_size_execute0_lowered;
	s4 =	sadd.s32 s4, s5;
	[dreg:$0x0] =	wrdreg $0x0  }
0xa9: {  	s5 =	sshll.u32 s28, $0x1;
	[dreg:$0x2] =	wrdreg s4  }
0xaa: {  	[dreg:$0x3] =	wrdreg s5  }
0xab: {  	[dreg:$0x4] =	wrdreg $0xC0  }
0xac: {  	_ =	task [dreg:s8], $0x5FFFF  }
0xad: {  	[dreg:$0x1] =	wrdreg $0xFFFFFFFF  }
0xae: {  	[dreg:$0x0] =	wrdreg $0x60  }
0xaf: {  	[dreg:$0x2] =	wrdreg s2  }
0xb0: {  	[dreg:$0x3] =	wrdreg s19  }
0xb1: {  	[dreg:$0x4] =	wrdreg $0x81000  }
0xb2: {  	[dreg:$0x5] =	wrdreg $0x9  }
0xb3: {  	_ =	task.clear_ibuf [dreg:s8], $0x6FFFF;
	_ =	strace $0x90000046  }
0xb4: {  	s29 =	simm.s32 $0x9;
	_ =	strace $0x80000048  }
0xb5: {  	_ =	swait.ge [sflag:s29], $0x1  }
0xb6: {  	[sflag:s29] =	ssyncadd.s32 $0xFFFFFFFF  }
0xb7: {  	_ =	strace $0x90000048  }
0xb8: {  	_ =	sfence  }
0xb9: {  	s30 =	sld [smem:$0x0];
	_ =	sdelay $0x2  }
0xba: {  	s31 =	sshll.u32 s1, $0xD;
	s1 =	sshrl.u32 s1, $0x2  }
0xbb: {  	s3 =	sand.u32 $0x4000, s31;
	s1 =	sadd.s32 s1, s30  }
0xbc: {  	s0 =	sor.u32 s3, s0;
	s1 =	sshll.u32 s1, $0x11  }
0xbd: {  	s0 =	sor.u32 s1, s0  }
0xbe: {  	s0 =	sadd.s32 $0x8F2B, s0  }
0xbf: {  	[sflag:s0] =	ssyncadd.remote.s32 $0x1  }
0xc0: {  	_ =	sfence.sel $0xFFFF  }
0xc1: {  	[dreg:$0x0] =	wrdreg $0xFFFFFFFF;
	(pc) =	sbr.abs _section_cstart, $3  }
0xc2: {  	[dreg:$0x1] =	wrdreg $0xFFFFFFFF  }
0xc3: {  	_ =	task.clear_ibuf [dreg:s8], $0x2FFFF;
	_ =	strace $0x9FFFFFFF  }
0xc4: {  	(tm) =	ssettm $0x7FFFFFFF  }
0xc5: {  	_ =	shalt  }
tec
execute0_lowered:
.L_overlay_start_1:
0x0: {  	(tag) =	ssettag $0x1  }
0x1: {  	s0 =	rddreg [dreg:$0x0]  }
0x2: {  	s1 =	rddreg [dreg:$0x1];
	s10 =	stileid.u32  }
0x3: {  	s2 =	rddreg [dreg:$0x2];
	s5 =	smul.u32 $0x50800, s10  }
0x4: {  	s4 =	srdreg.scid;
	s3 =	simm.s32 $0x0;
	s14 =	smul.u32 $0x280, s10  }
0x5: {  	s6 =	sand.u32 $0x1, s4;
	s16 =	smul.u32 $0x50000, s10;
	s11 =	sshrl.u32 s5, $0x2  }
0x6: {  	[smem:$0x7FF] =	sst s3;
	s26 =	smul.u32 $0x4F0, s10;
	s4 =	sadd.s32 s11, s2  }
0x7: {  	s10 =	simm.s32 $0x1;
	s7 =	ssub.s32 $0x2, s6;
	s13 =	sadd.s32 $0x2000, s4  }
0x8: {  	_ =	strace $0x80000047;
	s8 =	sadd.s32 $0x4000, s4;
	[dreg:$0x4] =	wrdreg s13  }
0x9: {  	s18 =	smul.u32 $0x2800, s6;
	s15 =	sadd.s32 $0x6000, s4;
	[dreg:$0x5] =	wrdreg s8  }
0xa: {  	s24 =	smul.u32 $0x4F00, s6;
	s9 =	sadd.s32 $0x8000, s4;
	[dreg:$0x6] =	wrdreg s15  }
0xb: {  	s12 =	sshrl.u32 s7, $0x1;
	s17 =	sadd.s32 $0xA000, s4;
	[dreg:$0x7] =	wrdreg s9  }
0xc: {  	s5 =	ssub.s32 s7, s12;
	s11 =	sadd.s32 $0xC000, s4;
	[dreg:$0x8] =	wrdreg s17  }
0xd: {  	s7 =	sadd.s32 s14, s18;
	s19 =	sadd.s32 $0xE000, s4;
	[dreg:$0x9] =	wrdreg s11  }
0xe: {  	s0 =	sadd.s32 s24, s0;
	s20 =	sadd.s32 $0x10000, s4;
	[dreg:$0xa] =	wrdreg s19  }
0xf: {  	s12 =	simm.s32 $0x100;
	s21 =	sadd.s32 $0x12000, s4;
	[dreg:$0xb] =	wrdreg s20  }
0x10: {  	s14 =	simm.s32 $0x0;
	s22 =	sadd.s32 $0x14000, s4;
	[dreg:$0xc] =	wrdreg s21  }
0x11: {  	s7 =	sshll.u32 s7, $0x4;
	s8 =	sshrl.u32 s16, $0x2;
	[dreg:$0xd] =	wrdreg s22  }
0x12: {  	s16 =	sadd.s32 s1, s7;
	s9 =	simm.s32 $0x4100;
	s11 =	simm.s32 $0x80  }
0x13: {  	s13 =	simm.s32 $0x6100;
	s15 =	sadd.s32 s8, s2;
	s25 =	sadd.s32 $0x400, s16  }
0x14: {  	s20 =	sadd.s32 $0x800, s16;
	s22 =	sadd.s32 $0xC00, s16;
	s29 =	sadd.s32 $0x1400, s16  }
0x15: {  	s31 =	sadd.s32 $0x1800, s16;
	s6 =	sadd.s32 $0x2000, s16;
	s8 =	sadd.s32 $0x2400, s16  }
0x16: {  	s23 =	sadd.s32 $0x2000, s15;
	[dreg:$0xf] =	wrdreg s25;
	s19 =	sadd.s32 $0x4000, s15  }
0x17: {  	s21 =	sadd.s32 $0x6000, s15;
	s24 =	sadd.s32 $0x8000, s15;
	s25 =	smax.u32 s5, $0x1  }
0x18: {  	s28 =	sadd.s32 $0xA000, s15;
	s30 =	sadd.s32 $0xC000, s15;
	s1 =	sadd.s32 $0xE000, s15  }
0x19: {  	s5 =	sadd.s32 $0x10000, s15;
	s7 =	sadd.s32 $0x12000, s15;
	[dreg:$0xe] =	wrdreg s23  }
0x1a: {  	v0 =	vimm.f32 $0.0e+00;
	v1 =	vimm.f32 $1.000000000e+00;
	s23 =	sadd.s32 s26, s0;
	s26 =	sadd.s32 $0x1000, s16;
	s0 =	sadd.s32 $0x1C00, s16  }
.LBB2_1:
0x1b: {  	s17 =	simm.s32 $0x0;
	s18 =	simm.s32 $0x200  }
.LBB2_2:
0x1c: {  	p0 =	sne.s32 s18, $0x7E00;
	[tilespmem:s17+$0x4170] =	vst v0  }
0x1d: {  	[tilespmem:s17+$0x4100] =	vst v0  }
0x1e: {  	[tilespmem:s17+$0x4110] =	vst v0  }
.Ltmp0:
0x1f: {  	[tilespmem:s17+$0x4120] =	vst v0;
	(pc) =	sbr.rel @p0 .LBB2_2-.Ltmp0, $4  }
0x20: {  	[tilespmem:s17+$0x4130] =	vst v0  }
0x21: {  	[tilespmem:s17+$0x4140] =	vst v0  }
0x22: {  	[tilespmem:s17+$0x4150] =	vst v0  }
0x23: {  	[tilespmem:s17+$0x4160] =	vst v0;
	s17 =	sshra.s32 s18, $0x2;
	s18 =	sadd.s32 $0x200, s18  }
0x24: {  	[tilespmem:s17+$0x4170] =	vst v0  }
0x25: {  	[tilespmem:s17+$0x4100] =	vst v0  }
0x26: {  	[tilespmem:s17+$0x4110] =	vst v0  }
0x27: {  	[tilespmem:s17+$0x4120] =	vst v0  }
0x28: {  	[tilespmem:s17+$0x4130] =	vst v0  }
0x29: {  	[tilespmem:s17+$0x4140] =	vst v0  }
0x2a: {  	[tilespmem:s17+$0x4150] =	vst v0  }
0x2b: {  	[tilespmem:s17+$0x4160] =	vst v0;
	s17 =	simm.s32 $0x0;
	s18 =	simm.s32 $0x200  }
.LBB2_4:
0x2c: {  	p0 =	sne.s32 s18, $0xFE00;
	[tilespmem:s17+$0x170] =	vst v1  }
0x2d: {  	[tilespmem:s17+$0x100] =	vst v1  }
0x2e: {  	[tilespmem:s17+$0x110] =	vst v1  }
.Ltmp1:
0x2f: {  	[tilespmem:s17+$0x120] =	vst v1;
	(pc) =	sbr.rel @p0 .LBB2_4-.Ltmp1, $4  }
0x30: {  	[tilespmem:s17+$0x130] =	vst v1  }
0x31: {  	[tilespmem:s17+$0x140] =	vst v1  }
0x32: {  	[tilespmem:s17+$0x150] =	vst v1  }
0x33: {  	[tilespmem:s17+$0x160] =	vst v1;
	s17 =	sshra.s32 s18, $0x2;
	s18 =	sadd.s32 $0x200, s18  }
0x34: {  	[tilespmem:s17+$0x170] =	vst v1  }
0x35: {  	[tilespmem:s17+$0x100] =	vst v1  }
0x36: {  	[tilespmem:s17+$0x110] =	vst v1  }
0x37: {  	[tilespmem:s17+$0x120] =	vst v1  }
0x38: {  	[tilespmem:s17+$0x130] =	vst v1  }
0x39: {  	[tilespmem:s17+$0x140] =	vst v1  }
0x3a: {  	[tilespmem:s17+$0x150] =	vst v1  }
0x3b: {  	[tilespmem:s17+$0x160] =	vst v1  }
0x3c: {  	[spmem:s4] =	stream.linear.scatter [tilespmem:s9], [sflag:$0x1], $0x2000, $0x38;
	[tilespmem:$0x1C300] =	vst v63  }
0x3d: {  	_ =	swait.ge [sflag:s10], $0x2000  }
0x3e: {  	[sflag:s10] =	ssyncset.done $0x0  }
0x3f: {  	s18 =	rddreg [dreg:$0x4];
	[sflag:s10] =	ssyncadd.s32 $0xFFFFE000  }
0x40: {  	[spmem:s18] =	stream.linear.scatter [tilespmem:s9], [sflag:$0x1], $0x2000, $0x38;
	[tilespmem:$0x1C300] =	vst v63  }
0x41: {  	_ =	swait.ge [sflag:s10], $0x2000  }
0x42: {  	[sflag:s10] =	ssyncset.done $0x0  }
0x43: {  	s18 =	rddreg [dreg:$0x5];
	[sflag:s10] =	ssyncadd.s32 $0xFFFFE000  }
0x44: {  	[spmem:s18] =	stream.linear.scatter [tilespmem:s9], [sflag:$0x1], $0x2000, $0x38;
	[tilespmem:$0x1C300] =	vst v63  }
0x45: {  	_ =	swait.ge [sflag:s10], $0x2000  }
0x46: {  	[sflag:s10] =	ssyncset.done $0x0  }
0x47: {  	s18 =	rddreg [dreg:$0x6];
	[sflag:s10] =	ssyncadd.s32 $0xFFFFE000  }
0x48: {  	[spmem:s18] =	stream.linear.scatter [tilespmem:s9], [sflag:$0x1], $0x2000, $0x38;
	[tilespmem:$0x1C300] =	vst v63  }
0x49: {  	_ =	swait.ge [sflag:s10], $0x2000  }
0x4a: {  	[sflag:s10] =	ssyncset.done $0x0  }
0x4b: {  	s18 =	rddreg [dreg:$0x7];
	[sflag:s10] =	ssyncadd.s32 $0xFFFFE000  }
0x4c: {  	[spmem:s18] =	stream.linear.scatter [tilespmem:s9], [sflag:$0x1], $0x2000, $0x38;
	[tilespmem:$0x1C300] =	vst v63  }
0x4d: {  	_ =	swait.ge [sflag:s10], $0x2000  }
0x4e: {  	[sflag:s10] =	ssyncset.done $0x0  }
0x4f: {  	s18 =	rddreg [dreg:$0x8];
	[sflag:s10] =	ssyncadd.s32 $0xFFFFE000  }
0x50: {  	[spmem:s18] =	stream.linear.scatter [tilespmem:s9], [sflag:$0x1], $0x2000, $0x38;
	[tilespmem:$0x1C300] =	vst v63  }
0x51: {  	_ =	swait.ge [sflag:s10], $0x2000  }
0x52: {  	[sflag:s10] =	ssyncset.done $0x0  }
0x53: {  	s18 =	rddreg [dreg:$0x9];
	[sflag:s10] =	ssyncadd.s32 $0xFFFFE000  }
0x54: {  	[spmem:s18] =	stream.linear.scatter [tilespmem:s9], [sflag:$0x1], $0x2000, $0x38;
	[tilespmem:$0x1C300] =	vst v63  }
0x55: {  	_ =	swait.ge [sflag:s10], $0x2000  }
0x56: {  	[sflag:s10] =	ssyncset.done $0x0  }
0x57: {  	s18 =	rddreg [dreg:$0xa];
	[sflag:s10] =	ssyncadd.s32 $0xFFFFE000  }
0x58: {  	[spmem:s18] =	stream.linear.scatter [tilespmem:s9], [sflag:$0x1], $0x2000, $0x38;
	[tilespmem:$0x1C300] =	vst v63  }
0x59: {  	_ =	swait.ge [sflag:s10], $0x2000  }
0x5a: {  	[sflag:s10] =	ssyncset.done $0x0  }
0x5b: {  	s18 =	rddreg [dreg:$0xb];
	[sflag:s10] =	ssyncadd.s32 $0xFFFFE000  }
0x5c: {  	[spmem:s18] =	stream.linear.scatter [tilespmem:s9], [sflag:$0x1], $0x2000, $0x38;
	[tilespmem:$0x1C300] =	vst v63  }
0x5d: {  	_ =	swait.ge [sflag:s10], $0x2000  }
0x5e: {  	[sflag:s10] =	ssyncset.done $0x0  }
0x5f: {  	s18 =	rddreg [dreg:$0xc];
	[sflag:s10] =	ssyncadd.s32 $0xFFFFE000  }
0x60: {  	[spmem:s18] =	stream.linear.scatter [tilespmem:s9], [sflag:$0x1], $0x2000, $0x38;
	[tilespmem:$0x1C300] =	vst v63  }
0x61: {  	_ =	swait.ge [sflag:s10], $0x2000  }
0x62: {  	[sflag:s10] =	ssyncset.done $0x0  }
0x63: {  	s18 =	rddreg [dreg:$0xd];
	[sflag:s10] =	ssyncadd.s32 $0xFFFFE000  }
0x64: {  	[spmem:s18] =	stream.linear.scatter [tilespmem:s9], [sflag:$0x1], $0x200, $0x38;
	[tilespmem:$0x1C300] =	vst v63  }
0x65: {  	_ =	swait.ge [sflag:s10], $0x200  }
0x66: {  	[sflag:s10] =	ssyncset.done $0x0  }
0x67: {  	[sflag:s10] =	ssyncadd.s32 $0xFFFFFE00  }
0x68: {  	s18 =	sadd.s32 $0x0, s23;
	[bflag:$0x0] =	sbarrier.arrive $0xFFFF  }
0x69: {  	[tilespmem:s3], [sflag:$0x1] =	stream.linear.gather [hbm4b:s18+s3], $0x80, $0x38;
	[tilespmem:$0x1C300] =	vst v63  }
0x6a: {  	_ =	swait.ge [sflag:s10], $0x80  }
0x6b: {  	[sflag:s10] =	ssyncset.done $0x0  }
0x6c: {  	[sflag:s10] =	ssyncadd.s32 $0xFFFFFF80  }
0x6d: {  	v5 =	vld [tilespmem:$0x70]  }
0x6e: {  	v8 =	vld [tilespmem:$0x60]  }
0x6f: {  	v4 =	vld [tilespmem:$0x20]  }
0x70: {  	v6 =	vld [tilespmem:$0x40]  }
0x71: {  	v7 =	vld [tilespmem:$0x10]  }
0x72: {  	v3 =	vld [tilespmem:$0x0]  }
0x73: {  	v2 =	vld [tilespmem:$0x50];
	v9 =	vand.u32 $0x3F, v5;
	vm0 =	vlt.s32 v8, $0x2800;
	v10 =	vand.u32 $0x3F, v8  }
0x74: {  	vm1 =	vlt.s32 v5, $0x2800;
	v10 =	vor.u32 $0x2800, v10;
	v9 =	vor.u32 $0x2800, v9  }
0x75: {  	v11 =	vand.u32 $0x3F, v6;
	v8 =	vsel vm0, v8, v10;
	v10 =	vsel vm1, v5, v9;
	v5 =	vld [tilespmem:$0x30]  }
0x76: {  	v12 =	vand.u32 $0x3F, v7;
	vm3 =	vlt.s32 v7, $0x2800;
	vm2 =	vlt.s32 v4, $0x2800  }
0x77: {  	vm1 =	vlt.s32 v6, $0x2800;
	v9 =	vor.u32 $0x2800, v11;
	v11 =	vand.u32 $0x3F, v4;
	[tilespmem:$0xE0] =	vst v8  }
0x78: {  	s17 =	simm.s32 $0x10;
	vm0 =	vlt.s32 v2, $0x2800;
	v8 =	vand.u32 $0x3F, v3;
	[tilespmem:$0xF0] =	vst v10;
	v10 =	vor.u32 $0x2800, v12  }
.LBB2_6:
0x79: {  	p0 =	sne.s32 s17, $0x4E0;
	v7 =	vsel vm3, v7, v10;
	v10 =	vor.u32 $0x2800, v11;
	v6 =	vsel vm1, v6, v9;
	s18 =	smov.u32 s17;
	s17 =	sadd.s32 $0x10, s17  }
0x7a: {  	vm1 =	vlt.s32 v3, $0x2800;
	v4 =	vsel vm2, v4, v10;
	vm2 =	vlt.s32 v5, $0x2800;
	[tilespmem:$0xC0] =	vst v6  }
0x7b: {  	v6 =	vor.u32 $0x2800, v8;
	v8 =	vand.u32 $0x3F, v2;
	[tilespmem:$0xA0] =	vst v4;
	v4 =	vand.u32 $0x3F, v5  }
0x7c: {  	v3 =	vsel vm1, v3, v6;
	v6 =	vor.u32 $0x2800, v8;
	[tilespmem:$0x90] =	vst v7;
	v4 =	vor.u32 $0x2800, v4  }
0x7d: {  	v2 =	vsel vm0, v2, v6;
	[tilespmem:$0x80] =	vst v3;
	v3 =	vsel vm2, v5, v4  }
0x7e: {  	[tilespmem:$0xB0] =	vst v3  }
0x7f: {  	[tilespmem:$0xD0] =	vst v2  }
0x80: {  	[spmem:s2] =	stream.indirect.scatter.add.f32 [tilespmem:s12], [sflag:$0x1], $0x80, s11, s11, $0xb8;
	[tilespmem:$0x1C300] =	vst v63  }
0x81: {  	_ =	swait.ge [sflag:s10], $0x4000  }
0x82: {  	[sflag:s10] =	ssyncset.done $0x0  }
0x83: {  	s18 =	sadd.s32 s18, s23;
	[sflag:s10] =	ssyncadd.s32 $0xFFFFC000  }
0x84: {  	[tilespmem:s3], [sflag:$0x1] =	stream.linear.gather [hbm4b:s18+s3], $0x80, $0x38;
	[tilespmem:$0x1C300] =	vst v63  }
0x85: {  	_ =	swait.ge [sflag:s10], $0x80  }
0x86: {  	[sflag:s10] =	ssyncset.done $0x0  }
0x87: {  	[sflag:s10] =	ssyncadd.s32 $0xFFFFFF80  }
0x88: {  	v8 =	vld [tilespmem:$0x70]  }
0x89: {  	v9 =	vld [tilespmem:$0x60]  }
0x8a: {  	v4 =	vld [tilespmem:$0x20]  }
0x8b: {  	v6 =	vld [tilespmem:$0x40]  }
0x8c: {  	v7 =	vld [tilespmem:$0x10]  }
0x8d: {  	v3 =	vld [tilespmem:$0x0];
	v10 =	vand.u32 $0x3F, v8  }
0x8e: {  	v2 =	vld [tilespmem:$0x50];
	vm0 =	vlt.s32 v9, $0x2800;
	v11 =	vand.u32 $0x3F, v9  }
.Ltmp2:
0x8f: {  	vm1 =	vlt.s32 v8, $0x2800;
	v10 =	vor.u32 $0x2800, v10;
	v5 =	vld [tilespmem:$0x30];
	v11 =	vor.u32 $0x2800, v11;
	(pc) =	sbr.rel @p0 .LBB2_6-.Ltmp2, $4  }
0x90: {  	v10 =	vsel vm1, v8, v10;
	v12 =	vand.u32 $0x3F, v6;
	v11 =	vsel vm0, v9, v11  }
0x91: {  	vm1 =	vlt.s32 v6, $0x2800;
	v13 =	vand.u32 $0x3F, v7;
	v9 =	vor.u32 $0x2800, v12;
	[tilespmem:$0xE0] =	vst v11  }
0x92: {  	vm2 =	vlt.s32 v4, $0x2800;
	vm3 =	vlt.s32 v7, $0x2800;
	v8 =	vand.u32 $0x3F, v3;
	[tilespmem:$0xF0] =	vst v10  }
0x93: {  	v11 =	vand.u32 $0x3F, v4;
	v10 =	vor.u32 $0x2800, v13;
	vm0 =	vlt.s32 v2, $0x2800  }
0x94: {  	v6 =	vsel vm1, v6, v9  }
0x95: {  	v11 =	vor.u32 $0x2800, v11;
	v7 =	vsel vm3, v7, v10;
	vm14 =	vlt.s32 v3, $0x2800;
	[tilespmem:$0xC0] =	vst v6  }
0x96: {  	v60 =	vor.u32 $0x2800, v8;
	v62 =	vand.u32 $0x3F, v2;
	v4 =	vsel vm2, v4, v11;
	[tilespmem:$0x90] =	vst v7  }
0x97: {  	v61 =	vand.u32 $0x3F, v5;
	v3 =	vsel vm14, v3, v60;
	v63 =	vor.u32 $0x2800, v62;
	[tilespmem:$0xA0] =	vst v4  }
0x98: {  	vm15 =	vlt.s32 v5, $0x2800;
	v4 =	vor.u32 $0x2800, v61;
	[tilespmem:$0x80] =	vst v3;
	v2 =	vsel vm0, v2, v63  }
0x99: {  	v3 =	vsel vm15, v5, v4;
	[tilespmem:$0xD0] =	vst v2  }
0x9a: {  	[tilespmem:$0xB0] =	vst v3  }
0x9b: {  	[spmem:s2] =	stream.indirect.scatter.add.f32 [tilespmem:s12], [sflag:$0x1], $0x80, s11, s11, $0xb8;
	[tilespmem:$0x1C300] =	vst v63  }
0x9c: {  	_ =	swait.ge [sflag:s10], $0x4000  }
0x9d: {  	[sflag:s10] =	ssyncset.done $0x0  }
0x9e: {  	[sflag:s10] =	ssyncadd.s32 $0xFFFFC000  }
0x9f: {  	[bflag:$0x0] =	sbarrier.arrive $0xFFFF  }
0xa0: {  	[tilespmem:s13], [sflag:$0x1] =	stream.linear.gather [spmem:s15], $0x2000, $0x38;
	[tilespmem:$0x1C300] =	vst v63  }
0xa1: {  	_ =	swait.ge [sflag:s10], $0x2000  }
0xa2: {  	[sflag:s10] =	ssyncset.done $0x0  }
0xa3: {  	[sflag:s10] =	ssyncadd.s32 $0xFFFFE000  }
0xa4: {  	[hbm4b:s16+s3] =	stream.linear.scatter [tilespmem:s13], [sflag:$0x1], $0x2000, $0x38;
	[tilespmem:$0x1C300] =	vst v63  }
0xa5: {  	_ =	swait.ge [sflag:s10], $0x2000  }
0xa6: {  	[sflag:s10] =	ssyncset.done $0x0  }
0xa7: {  	s17 =	rddreg [dreg:$0xe];
	[sflag:s10] =	ssyncadd.s32 $0xFFFFE000  }
0xa8: {  	[tilespmem:s13], [sflag:$0x1] =	stream.linear.gather [spmem:s17], $0x2000, $0x38;
	[tilespmem:$0x1C300] =	vst v63  }
0xa9: {  	_ =	swait.ge [sflag:s10], $0x2000  }
0xaa: {  	[sflag:s10] =	ssyncset.done $0x0  }
0xab: {  	s18 =	rddreg [dreg:$0xf];
	[sflag:s10] =	ssyncadd.s32 $0xFFFFE000  }
0xac: {  	[hbm4b:s18+s3] =	stream.linear.scatter [tilespmem:s13], [sflag:$0x1], $0x2000, $0x38;
	[tilespmem:$0x1C300] =	vst v63  }
0xad: {  	_ =	swait.ge [sflag:s10], $0x2000  }
0xae: {  	[sflag:s10] =	ssyncset.done $0x0  }
0xaf: {  	[sflag:s10] =	ssyncadd.s32 $0xFFFFE000  }
0xb0: {  	[tilespmem:s13], [sflag:$0x1] =	stream.linear.gather [spmem:s19], $0x2000, $0x38;
	[tilespmem:$0x1C300] =	vst v63  }
0xb1: {  	_ =	swait.ge [sflag:s10], $0x2000  }
0xb2: {  	[sflag:s10] =	ssyncset.done $0x0  }
0xb3: {  	[sflag:s10] =	ssyncadd.s32 $0xFFFFE000  }
0xb4: {  	[hbm4b:s20+s3] =	stream.linear.scatter [tilespmem:s13], [sflag:$0x1], $0x2000, $0x38;
	[tilespmem:$0x1C300] =	vst v63  }
0xb5: {  	_ =	swait.ge [sflag:s10], $0x2000  }
0xb6: {  	[sflag:s10] =	ssyncset.done $0x0  }
0xb7: {  	[sflag:s10] =	ssyncadd.s32 $0xFFFFE000  }
0xb8: {  	[tilespmem:s13], [sflag:$0x1] =	stream.linear.gather [spmem:s21], $0x2000, $0x38;
	[tilespmem:$0x1C300] =	vst v63  }
0xb9: {  	_ =	swait.ge [sflag:s10], $0x2000  }
0xba: {  	[sflag:s10] =	ssyncset.done $0x0  }
0xbb: {  	[sflag:s10] =	ssyncadd.s32 $0xFFFFE000  }
0xbc: {  	[hbm4b:s22+s3] =	stream.linear.scatter [tilespmem:s13], [sflag:$0x1], $0x2000, $0x38;
	[tilespmem:$0x1C300] =	vst v63  }
0xbd: {  	_ =	swait.ge [sflag:s10], $0x2000  }
0xbe: {  	[sflag:s10] =	ssyncset.done $0x0  }
0xbf: {  	[sflag:s10] =	ssyncadd.s32 $0xFFFFE000  }
0xc0: {  	[tilespmem:s13], [sflag:$0x1] =	stream.linear.gather [spmem:s24], $0x2000, $0x38;
	[tilespmem:$0x1C300] =	vst v63  }
0xc1: {  	_ =	swait.ge [sflag:s10], $0x2000  }
0xc2: {  	[sflag:s10] =	ssyncset.done $0x0  }
0xc3: {  	[sflag:s10] =	ssyncadd.s32 $0xFFFFE000  }
0xc4: {  	[hbm4b:s26+s3] =	stream.linear.scatter [tilespmem:s13], [sflag:$0x1], $0x2000, $0x38;
	[tilespmem:$0x1C300] =	vst v63  }
0xc5: {  	_ =	swait.ge [sflag:s10], $0x2000  }
0xc6: {  	[sflag:s10] =	ssyncset.done $0x0  }
0xc7: {  	[sflag:s10] =	ssyncadd.s32 $0xFFFFE000  }
0xc8: {  	[tilespmem:s13], [sflag:$0x1] =	stream.linear.gather [spmem:s28], $0x2000, $0x38;
	[tilespmem:$0x1C300] =	vst v63  }
0xc9: {  	_ =	swait.ge [sflag:s10], $0x2000  }
0xca: {  	[sflag:s10] =	ssyncset.done $0x0  }
0xcb: {  	[sflag:s10] =	ssyncadd.s32 $0xFFFFE000  }
0xcc: {  	[hbm4b:s29+s3] =	stream.linear.scatter [tilespmem:s13], [sflag:$0x1], $0x2000, $0x38;
	[tilespmem:$0x1C300] =	vst v63  }
0xcd: {  	_ =	swait.ge [sflag:s10], $0x2000  }
0xce: {  	[sflag:s10] =	ssyncset.done $0x0  }
0xcf: {  	[sflag:s10] =	ssyncadd.s32 $0xFFFFE000  }
0xd0: {  	[tilespmem:s13], [sflag:$0x1] =	stream.linear.gather [spmem:s30], $0x2000, $0x38;
	[tilespmem:$0x1C300] =	vst v63  }
0xd1: {  	_ =	swait.ge [sflag:s10], $0x2000  }
0xd2: {  	[sflag:s10] =	ssyncset.done $0x0  }
0xd3: {  	[sflag:s10] =	ssyncadd.s32 $0xFFFFE000  }
0xd4: {  	[hbm4b:s31+s3] =	stream.linear.scatter [tilespmem:s13], [sflag:$0x1], $0x2000, $0x38;
	[tilespmem:$0x1C300] =	vst v63  }
0xd5: {  	_ =	swait.ge [sflag:s10], $0x2000  }
0xd6: {  	[sflag:s10] =	ssyncset.done $0x0  }
0xd7: {  	[sflag:s10] =	ssyncadd.s32 $0xFFFFE000  }
0xd8: {  	[tilespmem:s13], [sflag:$0x1] =	stream.linear.gather [spmem:s1], $0x2000, $0x38;
	[tilespmem:$0x1C300] =	vst v63  }
0xd9: {  	_ =	swait.ge [sflag:s10], $0x2000  }
0xda: {  	[sflag:s10] =	ssyncset.done $0x0  }
0xdb: {  	[sflag:s10] =	ssyncadd.s32 $0xFFFFE000  }
0xdc: {  	[hbm4b:s0+s3] =	stream.linear.scatter [tilespmem:s13], [sflag:$0x1], $0x2000, $0x38;
	[tilespmem:$0x1C300] =	vst v63  }
0xdd: {  	_ =	swait.ge [sflag:s10], $0x2000  }
0xde: {  	[sflag:s10] =	ssyncset.done $0x0  }
0xdf: {  	[sflag:s10] =	ssyncadd.s32 $0xFFFFE000  }
0xe0: {  	[tilespmem:s13], [sflag:$0x1] =	stream.linear.gather [spmem:s5], $0x2000, $0x38;
	[tilespmem:$0x1C300] =	vst v63  }
0xe1: {  	_ =	swait.ge [sflag:s10], $0x2000  }
0xe2: {  	[sflag:s10] =	ssyncset.done $0x0  }
0xe3: {  	[sflag:s10] =	ssyncadd.s32 $0xFFFFE000  }
0xe4: {  	[hbm4b:s6+s3] =	stream.linear.scatter [tilespmem:s13], [sflag:$0x1], $0x2000, $0x38;
	[tilespmem:$0x1C300] =	vst v63  }
0xe5: {  	_ =	swait.ge [sflag:s10], $0x2000  }
0xe6: {  	[sflag:s10] =	ssyncset.done $0x0  }
0xe7: {  	[sflag:s10] =	ssyncadd.s32 $0xFFFFE000  }
0xe8: {  	[tilespmem:s13], [sflag:$0x1] =	stream.linear.gather [spmem:s7], $0x2000, $0x38;
	[tilespmem:$0x1C300] =	vst v63  }
0xe9: {  	s14 =	sadd.s32 $0x1, s14;
	_ =	swait.ge [sflag:s10], $0x2000  }
0xea: {  	p0 =	sne.s32 s14, s25;
	[sflag:s10] =	ssyncset.done $0x0  }
.Ltmp3:
0xeb: {  	[sflag:s10] =	ssyncadd.s32 $0xFFFFE000;
	(pc) =	sbr.rel @p0 .LBB2_1-.Ltmp3, $4  }
0xec: {  	[hbm4b:s8+s3] =	stream.linear.scatter [tilespmem:s13], [sflag:$0x1], $0x2000, $0x38;
	[tilespmem:$0x1C300] =	vst v63  }
0xed: {  	_ =	swait.ge [sflag:s10], $0x2000  }
0xee: {  	[sflag:s10] =	ssyncset.done $0x0  }
0xef: {  	[sflag:s10] =	ssyncadd.s32 $0xFFFFE000  }
0xf0: {  	_ =	sfence.sel $0x180000  }
0xf1: {  	[bflag:$0x0] =	sbarrier.arrive $0xFFFF  }
0xf2: {  	_ =	strace $0x90000047  }
0xf3: {  	s0 =	stileid.u32;
	[bflag:$0x2] =	sbarrier.arrive $0xFFFF  }
0xf4: {  	p0 =	sne.s32 s0, $0x0;
	s0 =	rddreg [dreg:$0x3]  }
0xf5: {  	s0 =	sadd.s32 @!p0 $0x100000, s0  }
0xf6: {  	[sflag:s0] =	ssyncadd.tile.s32 @!p0 $0x1;
	_ =	shalt  }
.Lfunc_end2:
_tile_overlayer_lowered:
.L_overlay_start_2:
0xf7: {  	(tag) =	ssettag $0x2  }
0xf8: {  	s0 =	rddreg [dreg:$0x0];
	s2 =	stileid.u32  }
0xf9: {  	s1 =	rddreg [dreg:$0x1];
	p0 =	sne.s32 s2, $0x0  }
0xfa: {  	s3 =	rddreg [dreg:$0x2];
	[bflag:$0x3] =	sbarrier.arrive $0xFFFF;
	s2 =	simm.s32 @!p0 $0x1C01  }
0xfb: {  	[timem:s3], [sflag:s2] =	dma.local @!p0 [hbm:s0], s1  }
0xfc: {  	s0 =	simm.s32 @!p0 $0x1  }
0xfd: {  	_ =	swait.ge @!p0 [sflag:s0], s1  }
0xfe: {  	s1 =	ssub.s32 @!p0 $0x0, s1;
	[sflag:s0] =	ssyncset.done @!p0 $0x0  }
0xff: {  	[sflag:s0] =	ssyncadd.s32 @!p0 s1  }
0x100: {  	[bflag:$0x3] =	sbarrier.arrive $0xFFFF  }
0x101: {  	_ =	shalt  }

</sc_bundles>
